<compile_context>
chip_gen: v7x
topology: tpu7x:2x2x1
jax: 0.10.2.dev20260603
libtpu: 0.0.44.dev20260713+nightly
codegen_flags: <defaults>
</compile_context>

<pallas_src>
import functools

import jax
import jax.numpy as jnp
from jax import lax
from jax.experimental import pallas as pl
from jax.experimental.pallas import tpu as pltpu
from jax.experimental.pallas import tpu_sc as plsc

N = 4096
NK = 2
NC, NS, L = 2, 16, 16
NW = NC * NS
ROWS_W = N // NW

NBA = 32768
NBB = 32768
SH = 15
MB = NBB - 1

_UNROLL = 16


def _mesh():
    return plsc.VectorSubcoreMesh(
        core_axis_name="c", subcore_axis_name="s",
        num_cores=NC, num_subcores=NS)


def _wid():
    return lax.axis_index("s") * NC + lax.axis_index("c")


def _zero(ref, nwords):
    z = jnp.zeros((L,), jnp.int32)

    @plsc.parallel_loop(0, nwords // L, unroll=4)
    def _(i):
        ref[pl.ds(i * L, L)] = z


def _make_hist_pass(nbins, masked, crows):
    nch = ROWS_W // crows
    npair = nch // 2
    nvec = crows * N // L

    @functools.partial(
        pl.kernel,
        out_type=[jax.ShapeDtypeStruct((NW, nbins), jnp.int32)],
        mesh=_mesh(),
        compiler_params=pltpu.CompilerParams(needs_layout_passes=False),
        scratch_types=[
            pltpu.VMEM((2, crows, N), jnp.float32),
            pltpu.VMEM((nbins,), jnp.int32),
            pltpu.VMEM((L,), jnp.int32),
            pltpu.VMEM((L,), jnp.int32),
            pltpu.SemaphoreType.DMA,
            pltpu.SemaphoreType.DMA,
        ],
    )
    def _pass(adj_hbm, k_hbm, p_hbm, hist_out, abuf, hist, kbuf, pbuf, s0, s1):
        wid = _wid()
        row_w = wid * ROWS_W
        _zero(hist, nbins)
        pltpu.sync_copy(k_hbm, kbuf)
        kk = jnp.max(kbuf[...])
        pltpu.sync_copy(p_hbm, pbuf)
        pv = pbuf[...]
        ones = jnp.ones((L,), jnp.int32)
        sems = (s0, s1)

        def start(c, b):
            row = pl.multiple_of(row_w + c * crows, 8)
            pltpu.async_copy(
                adj_hbm.at[kk, pl.ds(row, crows)], abuf.at[b], sems[b])

        def wait(b):
            pltpu.make_async_copy(
                adj_hbm.at[0, pl.ds(0, crows)], abuf.at[b], sems[b]).wait()

        def compute(b):
            @plsc.parallel_loop(0, nvec, unroll=_UNROLL)
            def _(i):
                r = i >> 8
                col = (i & 255) * L
                a = abuf[b, r, pl.ds(col, L)]
                u = lax.bitcast_convert_type(a, jnp.int32)
                if not masked:
                    plsc.addupdate_scatter(hist, [u >> SH], ones)
                else:
                    m = (u >> SH) == pv
                    plsc.addupdate_scatter(
                        hist, [u & MB], ones, mask=m)

        start(0, 0)

        def pair(j, carry):
            start(2 * j + 1, 1)
            wait(0)
            compute(0)
            start(2 * j + 2, 0)
            wait(1)
            compute(1)
            return carry

        lax.fori_loop(0, npair - 1, pair, 0)
        start(nch - 1, 1)
        wait(0)
        compute(0)
        wait(1)
        compute(1)

        pltpu.sync_copy(hist, hist_out.at[wid])

    return _pass


_passA = _make_hist_pass(NBA, False, 8)
_passB = _make_hist_pass(NBB, True, 8)


_CROWS_TC = 256


def _count_body(e_ref, o_ref):
    @pl.when(pl.program_id(0) == 0)
    def _():
        o_ref[...] = jnp.zeros((1, 1), jnp.int32)

    part = jnp.sum((jnp.abs(e_ref[...]) > 0.0).astype(jnp.int32))
    o_ref[...] += part[None, None]


def _count(edge):
    return pl.pallas_call(
        _count_body,
        grid=(N // _CROWS_TC,),
        in_specs=[pl.BlockSpec((_CROWS_TC, N), lambda i: (i, 0))],
        out_specs=pl.BlockSpec((1, 1), lambda i: (0, 0)),
        out_shape=jax.ShapeDtypeStruct((1, 1), jnp.int32),
    )(edge)


_ROWS = 256


def _final_body(s_ref, e_ref, a_ref, o_ref):
    thre = lax.bitcast_convert_type(s_ref[1], jnp.float32)
    mask = (jnp.abs(a_ref[0]) < thre).astype(jnp.float32)
    o_ref[...] = e_ref[...] + mask


def _final(kpat, edge, adj):
    grid_spec = pltpu.PrefetchScalarGridSpec(
        num_scalar_prefetch=1,
        grid=(N // _ROWS,),
        in_specs=[
            pl.BlockSpec((_ROWS, N), lambda i, s: (i, 0)),
            pl.BlockSpec((1, _ROWS, N), lambda i, s: (s[0], i, 0)),
        ],
        out_specs=pl.BlockSpec((_ROWS, N), lambda i, s: (i, 0)),
    )
    return pl.pallas_call(
        _final_body,
        grid_spec=grid_spec,
        out_shape=jax.ShapeDtypeStruct((N, N), jnp.float32),
    )(kpat, edge, adj)


def _pick(h, q):
    nbins = h.shape[1]
    hist = h.sum(axis=0)
    cum = jnp.cumsum(hist)
    below = cum <= q
    b = jnp.minimum(jnp.sum(below.astype(jnp.int32)), nbins - 1)
    q_next = q - jnp.sum(jnp.where(below, hist, 0))
    return b.astype(jnp.int32), q_next


def kernel(edge_index, n, num_sample, k, adj_mask1_train, rate):
    kvec = jnp.full((L,), k, jnp.int32)
    zvec = jnp.zeros((L,), jnp.int32)

    (ha,) = _passA(adj_mask1_train, kvec, zvec)
    nonzero = _count(edge_index)[0, 0]
    q = (nonzero.astype(jnp.float32) * rate).astype(jnp.int32)

    ba, qa = _pick(ha, q)
    (hb,) = _passB(adj_mask1_train, kvec, jnp.broadcast_to(ba, (L,)))
    bb, _ = _pick(hb, qa)

    pat = (ba << SH) | bb
    kpat = jnp.stack([k.astype(jnp.int32), pat])
    return _final(kpat, edge_index, adj_mask1_train)

# --- scband reference (transcript-rebuilt; emitter-appended) ---
"""Pipeline reference for scband-graph-editer-mask-69389491634468 (READ-ONLY COPY).

The authoritative reference and input builder live on the scoring server;
editing this copy changes nothing except your own understanding.
"""

import jax, jax.numpy as jnp
import numpy as np

K = 2
N = 4096

def setup_inputs(seed: int = 0) -> dict:
    key = jax.random.key(seed)
    k1, k2 = jax.random.split(key)
    # forward args
    edge_index = jax.random.uniform(k1, (N, N), dtype=jnp.float32)
    # learned parameter: adj_mask1_train = rand_like(mask) with shape [K, n, n]
    adj_mask1_train = jax.random.uniform(k2, (K, N, N), dtype=jnp.float32)
    return {
        "edge_index": edge_index,
        "n": N,
        "num_sample": 100,
        "k": 1,
        "adj_mask1_train": adj_mask1_train,
        "rate": 0.15,
    }


def reference(edge_index, n, num_sample, k, adj_mask1_train, rate=0.15):
    # mask_y, mask_i = torch.sort(self.adj_mask1_train[k].view(-1))
    mask_y = jnp.sort(adj_mask1_train[k].reshape(-1))
    # nonzero = len(torch.nonzero(|edge_index.flatten()| > 0))
    nonzero = jnp.sum(jnp.abs(edge_index.reshape(-1)) > 0)
    # mask_thre_index = int(nonzero * rate)
    mask_thre_index = (nonzero.astype(jnp.float32) * rate).astype(jnp.int32)
    mask_thre = mask_y[mask_thre_index]
    am = adj_mask1_train[k]
    ones = jnp.ones_like(am)
    zeros = jnp.zeros_like(am)
    mask = jnp.where(jnp.abs(am) < mask_thre, ones, zeros)
    out = edge_index + mask
    return out

if __name__ == "__main__":
    import jax
    _d = setup_inputs()
    print(jax.jit(kernel)(*tuple(_d.values())))

</pallas_src>

<mosaic_0001>
#map = affine_map<(d0, d1) -> (0, 0, 0)>
#map1 = affine_map<(d0, d1) -> (0)>
#map2 = affine_map<(d0, d1) -> (0, 0)>
module attributes {stable_mosaic.version = 14 : i64} {
  func.func @_pass(%arg0: i32, %arg1: i32, %arg2: memref<2x4096x4096xf32, #tpu.memory_space<hbm>>, %arg3: memref<16xi32, #tpu.memory_space<hbm>>, %arg4: memref<16xi32, #tpu.memory_space<hbm>>, %arg5: memref<32x32768xi32, #tpu.memory_space<hbm>>, %arg6: memref<2x8x4096xf32, #tpu.memory_space<vmem>>, %arg7: memref<32768xi32, #tpu.memory_space<vmem>>, %arg8: memref<16xi32, #tpu.memory_space<vmem>>, %arg9: memref<16xi32, #tpu.memory_space<vmem>>, %arg10: memref<!tpu.dma_semaphore, #tpu.memory_space<semaphore_mem>>, %arg11: memref<!tpu.dma_semaphore, #tpu.memory_space<semaphore_mem>>) attributes {dimension_semantics = [#tpu.dimension_semantics<core_parallel>, #tpu.dimension_semantics<subcore_parallel>], iteration_bounds = array<i64: 2, 16>, scalar_prefetch = 0 : i64, scratch_operands = 6 : i64, tpu.core_type = #tpu.core_type<sc_vector_subcore>, window_params = [{transform_indices = #map}, {transform_indices = #map1}, {transform_indices = #map1}, {transform_indices = #map2}]} {
    %mul3A = arith.constant 2 : i32
    %mul3A_0 = arith.muli %arg1, %mul3A : i32
    %add3A = arith.addi %mul3A_0, %arg0 : i32
    %mul3A_1 = arith.constant 128 : i32
    %mul3A_2 = arith.muli %add3A, %mul3A_1 : i32
    %broadcast_in_dim3A = arith.constant 0 : i32
    %broadcast_in_dim3A_3 = vector.broadcast %broadcast_in_dim3A : i32 to vector<16xi32>
    %parallel_loop3A = arith.constant 0 : i32
    %parallel_loop3A_4 = arith.constant 2048 : i32
    %parallel_loop3A_5 = arith.constant 1 : i32
    scf.for %parallel_loop3A_98 = %parallel_loop3A to %parallel_loop3A_4 step %parallel_loop3A_5  : i32 {
      %parallel_loop3A_99 = arith.constant 16 : i32
      %parallel_loop3A_100 = arith.muli %parallel_loop3A_98, %parallel_loop3A_99 : i32
      %parallel_loop3A_101 = arith.index_cast %parallel_loop3A_100 : i32 to index
      %parallel_loop3A_102 = tpu.vector_load %arg7[%parallel_loop3A_101] {strides = array<i32>} : memref<32768xi32, #tpu.memory_space<vmem>>, vector<16xi32>,
      tpu.vector_store %arg7[%parallel_loop3A_101], %broadcast_in_dim3A_3 {strides = array<i32>} : memref<32768xi32, #tpu.memory_space<vmem>>, vector<16xi32>,
    } {sc.loop_unroll_factor = 4 : i64, sc.parallel_access}
    "tpu.region"() ({
      %run_scoped3A = tpu.sem_alloc : memref<!tpu.dma_semaphore, #tpu.memory_space<semaphore_mem>>
      tpu.enqueue_dma source(%arg3 : memref<16xi32, #tpu.memory_space<hbm>>) target(%arg8 : memref<16xi32, #tpu.memory_space<vmem>>) target_semaphore(%run_scoped3A : memref<!tpu.dma_semaphore, #tpu.memory_space<semaphore_mem>>)
      tpu.wait_dma2 semaphore(%run_scoped3A : memref<!tpu.dma_semaphore, #tpu.memory_space<semaphore_mem>>) src(%arg3 : memref<16xi32, #tpu.memory_space<hbm>>) dst(%arg8 : memref<16xi32, #tpu.memory_space<vmem>>)
      tpu.yield
    }) : () -> ()
    %get3A = arith.constant 0 : index
    %get3A_6 = tpu.vector_load %arg8[%get3A] {strides = array<i32>} : memref<16xi32, #tpu.memory_space<vmem>>, vector<16xi32>,
    %reduce_max3A = arith.constant true
    %reduce_max3A_7 = vector.broadcast %reduce_max3A : i1 to vector<16xi1>
    %reduce_max3A_8 = arith.constant -2147483648 : i32
    %reduce_max3A_9 = vector.broadcast %reduce_max3A_8 : i32 to vector<16xi32>
    %reduce_max3A_10 = arith.xori %get3A_6, %reduce_max3A_9 : vector<16xi32>
    %reduce_max3A_11 = tpu.scan <max>, %reduce_max3A_10 masked %reduce_max3A_7 : vector<16xi32>, vector<16xi1> -> vector<16xi32>
    %reduce_max3A_12 = arith.xori %reduce_max3A_11, %reduce_max3A_9 : vector<16xi32>
    %reduce_max3A_13 = vector.extract %reduce_max3A_12[15] : i32 from vector<16xi32>
    "tpu.region"() ({
      %run_scoped3A = tpu.sem_alloc : memref<!tpu.dma_semaphore, #tpu.memory_space<semaphore_mem>>
      tpu.enqueue_dma source(%arg4 : memref<16xi32, #tpu.memory_space<hbm>>) target(%arg9 : memref<16xi32, #tpu.memory_space<vmem>>) target_semaphore(%run_scoped3A : memref<!tpu.dma_semaphore, #tpu.memory_space<semaphore_mem>>)
      tpu.wait_dma2 semaphore(%run_scoped3A : memref<!tpu.dma_semaphore, #tpu.memory_space<semaphore_mem>>) src(%arg4 : memref<16xi32, #tpu.memory_space<hbm>>) dst(%arg9 : memref<16xi32, #tpu.memory_space<vmem>>)
      tpu.yield
    }) : () -> ()
    %get3A_14 = arith.constant 0 : index
    %get3A_15 = tpu.vector_load %arg9[%get3A_14] {strides = array<i32>} : memref<16xi32, #tpu.memory_space<vmem>>, vector<16xi32>,
    %broadcast_in_dim3A_16 = arith.constant 1 : i32
    %broadcast_in_dim3A_17 = vector.broadcast %broadcast_in_dim3A_16 : i32 to vector<16xi32>
    %add3A_18 = arith.constant 0 : i32
    %add3A_19 = arith.addi %mul3A_2, %add3A_18 : i32
    %multiple_of3A = tpu.assume_multiple %add3A_19, 8 : i32
    %dma_start3A = arith.constant 0 : i32
    %dma_start3A_20 = arith.constant 0 : i32
    %dma_start3A_21 = arith.constant 0 : i32
    %dma_start3A_22 = tpu.memref_slice %arg6[%dma_start3A, %dma_start3A_20, %dma_start3A_21] : memref<2x8x4096xf32, #tpu.memory_space<vmem>> -> memref<1x8x4096xf32, #tpu.memory_space<vmem>>
    %dma_start3A_23 = tpu.memref_squeeze %dma_start3A_22 : memref<1x8x4096xf32, #tpu.memory_space<vmem>> -> memref<8x4096xf32, #tpu.memory_space<vmem>>
    %dma_start3A_24 = arith.constant 0 : i32
    %dma_start3A_25 = tpu.memref_slice %arg2[%reduce_max3A_13, %multiple_of3A, %dma_start3A_24] : memref<2x4096x4096xf32, #tpu.memory_space<hbm>> -> memref<1x8x4096xf32, #tpu.memory_space<hbm>>
    %dma_start3A_26 = tpu.memref_squeeze %dma_start3A_25 : memref<1x8x4096xf32, #tpu.memory_space<hbm>> -> memref<8x4096xf32, #tpu.memory_space<hbm>>
    %dma_start3A_27 = arith.constant 0 : i32
    %dma_start3A_28 = arith.constant 0 : i32
    %dma_start3A_29 = tpu.memref_slice %arg6[%dma_start3A, %dma_start3A_27, %dma_start3A_28] : memref<2x8x4096xf32, #tpu.memory_space<vmem>> -> memref<1x8x4096xf32, #tpu.memory_space<vmem>>
    %dma_start3A_30 = tpu.memref_squeeze %dma_start3A_29 : memref<1x8x4096xf32, #tpu.memory_space<vmem>> -> memref<8x4096xf32, #tpu.memory_space<vmem>>
    %dma_start3A_31 = arith.constant 0 : i32
    %dma_start3A_32 = tpu.memref_slice %arg2[%reduce_max3A_13, %multiple_of3A, %dma_start3A_31] : memref<2x4096x4096xf32, #tpu.memory_space<hbm>> -> memref<1x8x4096xf32, #tpu.memory_space<hbm>>
    %dma_start3A_33 = tpu.memref_squeeze %dma_start3A_32 : memref<1x8x4096xf32, #tpu.memory_space<hbm>> -> memref<8x4096xf32, #tpu.memory_space<hbm>>
    tpu.enqueue_dma source(%dma_start3A_33 : memref<8x4096xf32, #tpu.memory_space<hbm>>) target(%dma_start3A_30 : memref<8x4096xf32, #tpu.memory_space<vmem>>) target_semaphore(%arg10 : memref<!tpu.dma_semaphore, #tpu.memory_space<semaphore_mem>>)
    %scan3A = arith.constant 0 : i32
    %scan3A_34 = arith.constant 0 : i32
    %scan3A_35 = arith.constant 7 : i32
    %scan3A_36 = arith.addi %scan3A_34, %scan3A_35 : i32
    %scan3A_37 = arith.constant 1 : i32
    scf.for %scan3A_98 = %scan3A_34 to %scan3A_36 step %scan3A_37  : i32 {
      %mul3A_99 = arith.constant 2 : i32
      %mul3A_100 = arith.muli %mul3A_99, %scan3A_98 : i32
      %add3A_101 = arith.constant 1 : i32
      %add3A_102 = arith.addi %mul3A_100, %add3A_101 : i32
      %mul3A_103 = arith.constant 8 : i32
      %mul3A_104 = arith.muli %add3A_102, %mul3A_103 : i32
      %add3A_105 = arith.addi %mul3A_2, %mul3A_104 : i32
      %multiple_of3A_106 = tpu.assume_multiple %add3A_105, 8 : i32
      %dma_start3A_107 = arith.constant 1 : i32
      %dma_start3A_108 = arith.constant 0 : i32
      %dma_start3A_109 = arith.constant 0 : i32
      %dma_start3A_110 = tpu.memref_slice %arg6[%dma_start3A_107, %dma_start3A_108, %dma_start3A_109] : memref<2x8x4096xf32, #tpu.memory_space<vmem>> -> memref<1x8x4096xf32, #tpu.memory_space<vmem>>
      %dma_start3A_111 = tpu.memref_squeeze %dma_start3A_110 : memref<1x8x4096xf32, #tpu.memory_space<vmem>> -> memref<8x4096xf32, #tpu.memory_space<vmem>>
      %dma_start3A_112 = arith.constant 0 : i32
      %dma_start3A_113 = tpu.memref_slice %arg2[%reduce_max3A_13, %multiple_of3A_106, %dma_start3A_112] : memref<2x4096x4096xf32, #tpu.memory_space<hbm>> -> memref<1x8x4096xf32, #tpu.memory_space<hbm>>
      %dma_start3A_114 = tpu.memref_squeeze %dma_start3A_113 : memref<1x8x4096xf32, #tpu.memory_space<hbm>> -> memref<8x4096xf32, #tpu.memory_space<hbm>>
      %dma_start3A_115 = arith.constant 0 : i32
      %dma_start3A_116 = arith.constant 0 : i32
      %dma_start3A_117 = tpu.memref_slice %arg6[%dma_start3A_107, %dma_start3A_115, %dma_start3A_116] : memref<2x8x4096xf32, #tpu.memory_space<vmem>> -> memref<1x8x4096xf32, #tpu.memory_space<vmem>>
      %dma_start3A_118 = tpu.memref_squeeze %dma_start3A_117 : memref<1x8x4096xf32, #tpu.memory_space<vmem>> -> memref<8x4096xf32, #tpu.memory_space<vmem>>
      %dma_start3A_119 = arith.constant 0 : i32
      %dma_start3A_120 = tpu.memref_slice %arg2[%reduce_max3A_13, %multiple_of3A_106, %dma_start3A_119] : memref<2x4096x4096xf32, #tpu.memory_space<hbm>> -> memref<1x8x4096xf32, #tpu.memory_space<hbm>>
      %dma_start3A_121 = tpu.memref_squeeze %dma_start3A_120 : memref<1x8x4096xf32, #tpu.memory_space<hbm>> -> memref<8x4096xf32, #tpu.memory_space<hbm>>
      tpu.enqueue_dma source(%dma_start3A_121 : memref<8x4096xf32, #tpu.memory_space<hbm>>) target(%dma_start3A_118 : memref<8x4096xf32, #tpu.memory_space<vmem>>) target_semaphore(%arg11 : memref<!tpu.dma_semaphore, #tpu.memory_space<semaphore_mem>>)
      %dma_wait3A_122 = arith.constant 0 : i32
      %dma_wait3A_123 = arith.constant 0 : i32
      %dma_wait3A_124 = arith.constant 0 : i32
      %dma_wait3A_125 = arith.constant 0 : i32
      %dma_wait3A_126 = tpu.memref_slice %arg6[%dma_wait3A_123, %dma_wait3A_124, %dma_wait3A_125] : memref<2x8x4096xf32, #tpu.memory_space<vmem>> -> memref<1x8x4096xf32, #tpu.memory_space<vmem>>
      %dma_wait3A_127 = tpu.memref_squeeze %dma_wait3A_126 : memref<1x8x4096xf32, #tpu.memory_space<vmem>> -> memref<8x4096xf32, #tpu.memory_space<vmem>>
      %dma_wait3A_128 = arith.constant 0 : i32
      %dma_wait3A_129 = arith.constant 0 : i32
      %dma_wait3A_130 = tpu.memref_slice %arg2[%dma_wait3A_122, %dma_wait3A_128, %dma_wait3A_129] : memref<2x4096x4096xf32, #tpu.memory_space<hbm>> -> memref<1x8x4096xf32, #tpu.memory_space<hbm>>
      %dma_wait3A_131 = tpu.memref_squeeze %dma_wait3A_130 : memref<1x8x4096xf32, #tpu.memory_space<hbm>> -> memref<8x4096xf32, #tpu.memory_space<hbm>>
      %dma_wait3A_132 = arith.constant 0 : i32
      %dma_wait3A_133 = arith.constant 0 : i32
      %dma_wait3A_134 = tpu.memref_slice %arg6[%dma_wait3A_123, %dma_wait3A_132, %dma_wait3A_133] : memref<2x8x4096xf32, #tpu.memory_space<vmem>> -> memref<1x8x4096xf32, #tpu.memory_space<vmem>>
      %dma_wait3A_135 = tpu.memref_squeeze %dma_wait3A_134 : memref<1x8x4096xf32, #tpu.memory_space<vmem>> -> memref<8x4096xf32, #tpu.memory_space<vmem>>
      %dma_wait3A_136 = arith.constant 0 : i32
      %dma_wait3A_137 = arith.constant 0 : i32
      %dma_wait3A_138 = tpu.memref_slice %arg2[%dma_wait3A_122, %dma_wait3A_136, %dma_wait3A_137] : memref<2x4096x4096xf32, #tpu.memory_space<hbm>> -> memref<1x8x4096xf32, #tpu.memory_space<hbm>>
      %dma_wait3A_139 = tpu.memref_squeeze %dma_wait3A_138 : memref<1x8x4096xf32, #tpu.memory_space<hbm>> -> memref<8x4096xf32, #tpu.memory_space<hbm>>
      tpu.wait_dma2 semaphore(%arg10 : memref<!tpu.dma_semaphore, #tpu.memory_space<semaphore_mem>>) src(%dma_wait3A_139 : memref<8x4096xf32, #tpu.memory_space<hbm>>) dst(%dma_wait3A_135 : memref<8x4096xf32, #tpu.memory_space<vmem>>)
      %parallel_loop3A_140 = arith.constant 0 : i32
      %parallel_loop3A_141 = arith.constant 2048 : i32
      %parallel_loop3A_142 = arith.constant 1 : i32
      scf.for %parallel_loop3A_187 = %parallel_loop3A_140 to %parallel_loop3A_141 step %parallel_loop3A_142  : i32 {
        %parallel_loop3A_188 = arith.constant 8 : i32
        %parallel_loop3A_189 = arith.shrsi %parallel_loop3A_187, %parallel_loop3A_188 : i32
        %parallel_loop3A_190 = arith.constant 255 : i32
        %parallel_loop3A_191 = arith.andi %parallel_loop3A_187, %parallel_loop3A_190 : i32
        %parallel_loop3A_192 = arith.constant 16 : i32
        %parallel_loop3A_193 = arith.muli %parallel_loop3A_191, %parallel_loop3A_192 : i32
        %parallel_loop3A_194 = arith.constant 0 : i32
        %parallel_loop3A_195 = arith.index_cast %parallel_loop3A_194 : i32 to index
        %parallel_loop3A_196 = arith.index_cast %parallel_loop3A_189 : i32 to index
        %parallel_loop3A_197 = arith.index_cast %parallel_loop3A_193 : i32 to index
        %parallel_loop3A_198 = tpu.vector_load %arg6[%parallel_loop3A_195, %parallel_loop3A_196, %parallel_loop3A_197] {strides = array<i32>} : memref<2x8x4096xf32, #tpu.memory_space<vmem>>, vector<16xf32>,
        %parallel_loop3A_199 = tpu.bitcast %parallel_loop3A_198 : vector<16xf32> -> vector<16xi32>
        %parallel_loop3A_200 = arith.constant 15 : i32
        %parallel_loop3A_201 = vector.broadcast %parallel_loop3A_200 : i32 to vector<16xi32>
        %parallel_loop3A_202 = arith.shrsi %parallel_loop3A_199, %parallel_loop3A_201 : vector<16xi32>
        %parallel_loop3A_203 = arith.cmpi eq, %parallel_loop3A_202, %get3A_15 : vector<16xi32>
        %parallel_loop3A_204 = arith.constant 32767 : i32
        %parallel_loop3A_205 = vector.broadcast %parallel_loop3A_204 : i32 to vector<16xi32>
        %parallel_loop3A_206 = arith.andi %parallel_loop3A_199, %parallel_loop3A_205 : vector<16xi32>
        tpu.vector_store_idx %arg7[%parallel_loop3A_206], %broadcast_in_dim3A_17 masked %parallel_loop3A_203 {add = true} : memref<32768xi32, #tpu.memory_space<vmem>>[vector<16xi32>], vector<16xi32>, vector<16xi1>
      } {sc.loop_unroll_factor = 16 : i64, sc.parallel_access}
      %mul3A_143 = arith.constant 2 : i32
      %mul3A_144 = arith.muli %mul3A_143, %scan3A_98 : i32
      %add3A_145 = arith.constant 2 : i32
      %add3A_146 = arith.addi %mul3A_144, %add3A_145 : i32
      %mul3A_147 = arith.constant 8 : i32
      %mul3A_148 = arith.muli %add3A_146, %mul3A_147 : i32
      %add3A_149 = arith.addi %mul3A_2, %mul3A_148 : i32
      %multiple_of3A_150 = tpu.assume_multiple %add3A_149, 8 : i32
      %dma_start3A_151 = arith.constant 0 : i32
      %dma_start3A_152 = arith.constant 0 : i32
      %dma_start3A_153 = arith.constant 0 : i32
      %dma_start3A_154 = tpu.memref_slice %arg6[%dma_start3A_151, %dma_start3A_152, %dma_start3A_153] : memref<2x8x4096xf32, #tpu.memory_space<vmem>> -> memref<1x8x4096xf32, #tpu.memory_space<vmem>>
      %dma_start3A_155 = tpu.memref_squeeze %dma_start3A_154 : memref<1x8x4096xf32, #tpu.memory_space<vmem>> -> memref<8x4096xf32, #tpu.memory_space<vmem>>
      %dma_start3A_156 = arith.constant 0 : i32
      %dma_start3A_157 = tpu.memref_slice %arg2[%reduce_max3A_13, %multiple_of3A_150, %dma_start3A_156] : memref<2x4096x4096xf32, #tpu.memory_space<hbm>> -> memref<1x8x4096xf32, #tpu.memory_space<hbm>>
      %dma_start3A_158 = tpu.memref_squeeze %dma_start3A_157 : memref<1x8x4096xf32, #tpu.memory_space<hbm>> -> memref<8x4096xf32, #tpu.memory_space<hbm>>
      %dma_start3A_159 = arith.constant 0 : i32
      %dma_start3A_160 = arith.constant 0 : i32
      %dma_start3A_161 = tpu.memref_slice %arg6[%dma_start3A_151, %dma_start3A_159, %dma_start3A_160] : memref<2x8x4096xf32, #tpu.memory_space<vmem>> -> memref<1x8x4096xf32, #tpu.memory_space<vmem>>
      %dma_start3A_162 = tpu.memref_squeeze %dma_start3A_161 : memref<1x8x4096xf32, #tpu.memory_space<vmem>> -> memref<8x4096xf32, #tpu.memory_space<vmem>>
      %dma_start3A_163 = arith.constant 0 : i32
      %dma_start3A_164 = tpu.memref_slice %arg2[%reduce_max3A_13, %multiple_of3A_150, %dma_start3A_163] : memref<2x4096x4096xf32, #tpu.memory_space<hbm>> -> memref<1x8x4096xf32, #tpu.memory_space<hbm>>
      %dma_start3A_165 = tpu.memref_squeeze %dma_start3A_164 : memref<1x8x4096xf32, #tpu.memory_space<hbm>> -> memref<8x4096xf32, #tpu.memory_space<hbm>>
      tpu.enqueue_dma source(%dma_start3A_165 : memref<8x4096xf32, #tpu.memory_space<hbm>>) target(%dma_start3A_162 : memref<8x4096xf32, #tpu.memory_space<vmem>>) target_semaphore(%arg10 : memref<!tpu.dma_semaphore, #tpu.memory_space<semaphore_mem>>)
      %dma_wait3A_166 = arith.constant 0 : i32
      %dma_wait3A_167 = arith.constant 1 : i32
      %dma_wait3A_168 = arith.constant 0 : i32
      %dma_wait3A_169 = arith.constant 0 : i32
      %dma_wait3A_170 = tpu.memref_slice %arg6[%dma_wait3A_167, %dma_wait3A_168, %dma_wait3A_169] : memref<2x8x4096xf32, #tpu.memory_space<vmem>> -> memref<1x8x4096xf32, #tpu.memory_space<vmem>>
      %dma_wait3A_171 = tpu.memref_squeeze %dma_wait3A_170 : memref<1x8x4096xf32, #tpu.memory_space<vmem>> -> memref<8x4096xf32, #tpu.memory_space<vmem>>
      %dma_wait3A_172 = arith.constant 0 : i32
      %dma_wait3A_173 = arith.constant 0 : i32
      %dma_wait3A_174 = tpu.memref_slice %arg2[%dma_wait3A_166, %dma_wait3A_172, %dma_wait3A_173] : memref<2x4096x4096xf32, #tpu.memory_space<hbm>> -> memref<1x8x4096xf32, #tpu.memory_space<hbm>>
      %dma_wait3A_175 = tpu.memref_squeeze %dma_wait3A_174 : memref<1x8x4096xf32, #tpu.memory_space<hbm>> -> memref<8x4096xf32, #tpu.memory_space<hbm>>
      %dma_wait3A_176 = arith.constant 0 : i32
      %dma_wait3A_177 = arith.constant 0 : i32
      %dma_wait3A_178 = tpu.memref_slice %arg6[%dma_wait3A_167, %dma_wait3A_176, %dma_wait3A_177] : memref<2x8x4096xf32, #tpu.memory_space<vmem>> -> memref<1x8x4096xf32, #tpu.memory_space<vmem>>
      %dma_wait3A_179 = tpu.memref_squeeze %dma_wait3A_178 : memref<1x8x4096xf32, #tpu.memory_space<vmem>> -> memref<8x4096xf32, #tpu.memory_space<vmem>>
      %dma_wait3A_180 = arith.constant 0 : i32
      %dma_wait3A_181 = arith.constant 0 : i32
      %dma_wait3A_182 = tpu.memref_slice %arg2[%dma_wait3A_166, %dma_wait3A_180, %dma_wait3A_181] : memref<2x4096x4096xf32, #tpu.memory_space<hbm>> -> memref<1x8x4096xf32, #tpu.memory_space<hbm>>
      %dma_wait3A_183 = tpu.memref_squeeze %dma_wait3A_182 : memref<1x8x4096xf32, #tpu.memory_space<hbm>> -> memref<8x4096xf32, #tpu.memory_space<hbm>>
      tpu.wait_dma2 semaphore(%arg11 : memref<!tpu.dma_semaphore, #tpu.memory_space<semaphore_mem>>) src(%dma_wait3A_183 : memref<8x4096xf32, #tpu.memory_space<hbm>>) dst(%dma_wait3A_179 : memref<8x4096xf32, #tpu.memory_space<vmem>>)
      %parallel_loop3A_184 = arith.constant 0 : i32
      %parallel_loop3A_185 = arith.constant 2048 : i32
      %parallel_loop3A_186 = arith.constant 1 : i32
      scf.for %parallel_loop3A_187 = %parallel_loop3A_184 to %parallel_loop3A_185 step %parallel_loop3A_186  : i32 {
        %parallel_loop3A_188 = arith.constant 8 : i32
        %parallel_loop3A_189 = arith.shrsi %parallel_loop3A_187, %parallel_loop3A_188 : i32
        %parallel_loop3A_190 = arith.constant 255 : i32
        %parallel_loop3A_191 = arith.andi %parallel_loop3A_187, %parallel_loop3A_190 : i32
        %parallel_loop3A_192 = arith.constant 16 : i32
        %parallel_loop3A_193 = arith.muli %parallel_loop3A_191, %parallel_loop3A_192 : i32
        %parallel_loop3A_194 = arith.constant 1 : i32
        %parallel_loop3A_195 = arith.index_cast %parallel_loop3A_194 : i32 to index
        %parallel_loop3A_196 = arith.index_cast %parallel_loop3A_189 : i32 to index
        %parallel_loop3A_197 = arith.index_cast %parallel_loop3A_193 : i32 to index
        %parallel_loop3A_198 = tpu.vector_load %arg6[%parallel_loop3A_195, %parallel_loop3A_196, %parallel_loop3A_197] {strides = array<i32>} : memref<2x8x4096xf32, #tpu.memory_space<vmem>>, vector<16xf32>,
        %parallel_loop3A_199 = tpu.bitcast %parallel_loop3A_198 : vector<16xf32> -> vector<16xi32>
        %parallel_loop3A_200 = arith.constant 15 : i32
        %parallel_loop3A_201 = vector.broadcast %parallel_loop3A_200 : i32 to vector<16xi32>
        %parallel_loop3A_202 = arith.shrsi %parallel_loop3A_199, %parallel_loop3A_201 : vector<16xi32>
        %parallel_loop3A_203 = arith.cmpi eq, %parallel_loop3A_202, %get3A_15 : vector<16xi32>
        %parallel_loop3A_204 = arith.constant 32767 : i32
        %parallel_loop3A_205 = vector.broadcast %parallel_loop3A_204 : i32 to vector<16xi32>
        %parallel_loop3A_206 = arith.andi %parallel_loop3A_199, %parallel_loop3A_205 : vector<16xi32>
        tpu.vector_store_idx %arg7[%parallel_loop3A_206], %broadcast_in_dim3A_17 masked %parallel_loop3A_203 {add = true} : memref<32768xi32, #tpu.memory_space<vmem>>[vector<16xi32>], vector<16xi32>, vector<16xi1>
      } {sc.loop_unroll_factor = 16 : i64, sc.parallel_access}
    }
    %scan3A_38 = arith.constant 7 : i32
    %add3A_39 = arith.constant 120 : i32
    %add3A_40 = arith.addi %mul3A_2, %add3A_39 : i32
    %multiple_of3A_41 = tpu.assume_multiple %add3A_40, 8 : i32
    %dma_start3A_42 = arith.constant 1 : i32
    %dma_start3A_43 = arith.constant 0 : i32
    %dma_start3A_44 = arith.constant 0 : i32
    %dma_start3A_45 = tpu.memref_slice %arg6[%dma_start3A_42, %dma_start3A_43, %dma_start3A_44] : memref<2x8x4096xf32, #tpu.memory_space<vmem>> -> memref<1x8x4096xf32, #tpu.memory_space<vmem>>
    %dma_start3A_46 = tpu.memref_squeeze %dma_start3A_45 : memref<1x8x4096xf32, #tpu.memory_space<vmem>> -> memref<8x4096xf32, #tpu.memory_space<vmem>>
    %dma_start3A_47 = arith.constant 0 : i32
    %dma_start3A_48 = tpu.memref_slice %arg2[%reduce_max3A_13, %multiple_of3A_41, %dma_start3A_47] : memref<2x4096x4096xf32, #tpu.memory_space<hbm>> -> memref<1x8x4096xf32, #tpu.memory_space<hbm>>
    %dma_start3A_49 = tpu.memref_squeeze %dma_start3A_48 : memref<1x8x4096xf32, #tpu.memory_space<hbm>> -> memref<8x4096xf32, #tpu.memory_space<hbm>>
    %dma_start3A_50 = arith.constant 0 : i32
    %dma_start3A_51 = arith.constant 0 : i32
    %dma_start3A_52 = tpu.memref_slice %arg6[%dma_start3A_42, %dma_start3A_50, %dma_start3A_51] : memref<2x8x4096xf32, #tpu.memory_space<vmem>> -> memref<1x8x4096xf32, #tpu.memory_space<vmem>>
    %dma_start3A_53 = tpu.memref_squeeze %dma_start3A_52 : memref<1x8x4096xf32, #tpu.memory_space<vmem>> -> memref<8x4096xf32, #tpu.memory_space<vmem>>
    %dma_start3A_54 = arith.constant 0 : i32
    %dma_start3A_55 = tpu.memref_slice %arg2[%reduce_max3A_13, %multiple_of3A_41, %dma_start3A_54] : memref<2x4096x4096xf32, #tpu.memory_space<hbm>> -> memref<1x8x4096xf32, #tpu.memory_space<hbm>>
    %dma_start3A_56 = tpu.memref_squeeze %dma_start3A_55 : memref<1x8x4096xf32, #tpu.memory_space<hbm>> -> memref<8x4096xf32, #tpu.memory_space<hbm>>
    tpu.enqueue_dma source(%dma_start3A_56 : memref<8x4096xf32, #tpu.memory_space<hbm>>) target(%dma_start3A_53 : memref<8x4096xf32, #tpu.memory_space<vmem>>) target_semaphore(%arg11 : memref<!tpu.dma_semaphore, #tpu.memory_space<semaphore_mem>>)
    %dma_wait3A = arith.constant 0 : i32
    %dma_wait3A_57 = arith.constant 0 : i32
    %dma_wait3A_58 = arith.constant 0 : i32
    %dma_wait3A_59 = arith.constant 0 : i32
    %dma_wait3A_60 = tpu.memref_slice %arg6[%dma_wait3A_57, %dma_wait3A_58, %dma_wait3A_59] : memref<2x8x4096xf32, #tpu.memory_space<vmem>> -> memref<1x8x4096xf32, #tpu.memory_space<vmem>>
    %dma_wait3A_61 = tpu.memref_squeeze %dma_wait3A_60 : memref<1x8x4096xf32, #tpu.memory_space<vmem>> -> memref<8x4096xf32, #tpu.memory_space<vmem>>
    %dma_wait3A_62 = arith.constant 0 : i32
    %dma_wait3A_63 = arith.constant 0 : i32
    %dma_wait3A_64 = tpu.memref_slice %arg2[%dma_wait3A, %dma_wait3A_62, %dma_wait3A_63] : memref<2x4096x4096xf32, #tpu.memory_space<hbm>> -> memref<1x8x4096xf32, #tpu.memory_space<hbm>>
    %dma_wait3A_65 = tpu.memref_squeeze %dma_wait3A_64 : memref<1x8x4096xf32, #tpu.memory_space<hbm>> -> memref<8x4096xf32, #tpu.memory_space<hbm>>
    %dma_wait3A_66 = arith.constant 0 : i32
    %dma_wait3A_67 = arith.constant 0 : i32
    %dma_wait3A_68 = tpu.memref_slice %arg6[%dma_wait3A_57, %dma_wait3A_66, %dma_wait3A_67] : memref<2x8x4096xf32, #tpu.memory_space<vmem>> -> memref<1x8x4096xf32, #tpu.memory_space<vmem>>
    %dma_wait3A_69 = tpu.memref_squeeze %dma_wait3A_68 : memref<1x8x4096xf32, #tpu.memory_space<vmem>> -> memref<8x4096xf32, #tpu.memory_space<vmem>>
    %dma_wait3A_70 = arith.constant 0 : i32
    %dma_wait3A_71 = arith.constant 0 : i32
    %dma_wait3A_72 = tpu.memref_slice %arg2[%dma_wait3A, %dma_wait3A_70, %dma_wait3A_71] : memref<2x4096x4096xf32, #tpu.memory_space<hbm>> -> memref<1x8x4096xf32, #tpu.memory_space<hbm>>
    %dma_wait3A_73 = tpu.memref_squeeze %dma_wait3A_72 : memref<1x8x4096xf32, #tpu.memory_space<hbm>> -> memref<8x4096xf32, #tpu.memory_space<hbm>>
    tpu.wait_dma2 semaphore(%arg10 : memref<!tpu.dma_semaphore, #tpu.memory_space<semaphore_mem>>) src(%dma_wait3A_73 : memref<8x4096xf32, #tpu.memory_space<hbm>>) dst(%dma_wait3A_69 : memref<8x4096xf32, #tpu.memory_space<vmem>>)
    %parallel_loop3A_74 = arith.constant 0 : i32
    %parallel_loop3A_75 = arith.constant 2048 : i32
    %parallel_loop3A_76 = arith.constant 1 : i32
    scf.for %parallel_loop3A_98 = %parallel_loop3A_74 to %parallel_loop3A_75 step %parallel_loop3A_76  : i32 {
      %parallel_loop3A_99 = arith.constant 8 : i32
      %parallel_loop3A_100 = arith.shrsi %parallel_loop3A_98, %parallel_loop3A_99 : i32
      %parallel_loop3A_101 = arith.constant 255 : i32
      %parallel_loop3A_102 = arith.andi %parallel_loop3A_98, %parallel_loop3A_101 : i32
      %parallel_loop3A_103 = arith.constant 16 : i32
      %parallel_loop3A_104 = arith.muli %parallel_loop3A_102, %parallel_loop3A_103 : i32
      %parallel_loop3A_105 = arith.constant 0 : i32
      %parallel_loop3A_106 = arith.index_cast %parallel_loop3A_105 : i32 to index
      %parallel_loop3A_107 = arith.index_cast %parallel_loop3A_100 : i32 to index
      %parallel_loop3A_108 = arith.index_cast %parallel_loop3A_104 : i32 to index
      %parallel_loop3A_109 = tpu.vector_load %arg6[%parallel_loop3A_106, %parallel_loop3A_107, %parallel_loop3A_108] {strides = array<i32>} : memref<2x8x4096xf32, #tpu.memory_space<vmem>>, vector<16xf32>,
      %parallel_loop3A_110 = tpu.bitcast %parallel_loop3A_109 : vector<16xf32> -> vector<16xi32>
      %parallel_loop3A_111 = arith.constant 15 : i32
      %parallel_loop3A_112 = vector.broadcast %parallel_loop3A_111 : i32 to vector<16xi32>
      %parallel_loop3A_113 = arith.shrsi %parallel_loop3A_110, %parallel_loop3A_112 : vector<16xi32>
      %parallel_loop3A_114 = arith.cmpi eq, %parallel_loop3A_113, %get3A_15 : vector<16xi32>
      %parallel_loop3A_115 = arith.constant 32767 : i32
      %parallel_loop3A_116 = vector.broadcast %parallel_loop3A_115 : i32 to vector<16xi32>
      %parallel_loop3A_117 = arith.andi %parallel_loop3A_110, %parallel_loop3A_116 : vector<16xi32>
      tpu.vector_store_idx %arg7[%parallel_loop3A_117], %broadcast_in_dim3A_17 masked %parallel_loop3A_114 {add = true} : memref<32768xi32, #tpu.memory_space<vmem>>[vector<16xi32>], vector<16xi32>, vector<16xi1>
    } {sc.loop_unroll_factor = 16 : i64, sc.parallel_access}
    %dma_wait3A_77 = arith.constant 0 : i32
    %dma_wait3A_78 = arith.constant 1 : i32
    %dma_wait3A_79 = arith.constant 0 : i32
    %dma_wait3A_80 = arith.constant 0 : i32
    %dma_wait3A_81 = tpu.memref_slice %arg6[%dma_wait3A_78, %dma_wait3A_79, %dma_wait3A_80] : memref<2x8x4096xf32, #tpu.memory_space<vmem>> -> memref<1x8x4096xf32, #tpu.memory_space<vmem>>
    %dma_wait3A_82 = tpu.memref_squeeze %dma_wait3A_81 : memref<1x8x4096xf32, #tpu.memory_space<vmem>> -> memref<8x4096xf32, #tpu.memory_space<vmem>>
    %dma_wait3A_83 = arith.constant 0 : i32
    %dma_wait3A_84 = arith.constant 0 : i32
    %dma_wait3A_85 = tpu.memref_slice %arg2[%dma_wait3A_77, %dma_wait3A_83, %dma_wait3A_84] : memref<2x4096x4096xf32, #tpu.memory_space<hbm>> -> memref<1x8x4096xf32, #tpu.memory_space<hbm>>
    %dma_wait3A_86 = tpu.memref_squeeze %dma_wait3A_85 : memref<1x8x4096xf32, #tpu.memory_space<hbm>> -> memref<8x4096xf32, #tpu.memory_space<hbm>>
    %dma_wait3A_87 = arith.constant 0 : i32
    %dma_wait3A_88 = arith.constant 0 : i32
    %dma_wait3A_89 = tpu.memref_slice %arg6[%dma_wait3A_78, %dma_wait3A_87, %dma_wait3A_88] : memref<2x8x4096xf32, #tpu.memory_space<vmem>> -> memref<1x8x4096xf32, #tpu.memory_space<vmem>>
    %dma_wait3A_90 = tpu.memref_squeeze %dma_wait3A_89 : memref<1x8x4096xf32, #tpu.memory_space<vmem>> -> memref<8x4096xf32, #tpu.memory_space<vmem>>
    %dma_wait3A_91 = arith.constant 0 : i32
    %dma_wait3A_92 = arith.constant 0 : i32
    %dma_wait3A_93 = tpu.memref_slice %arg2[%dma_wait3A_77, %dma_wait3A_91, %dma_wait3A_92] : memref<2x4096x4096xf32, #tpu.memory_space<hbm>> -> memref<1x8x4096xf32, #tpu.memory_space<hbm>>
    %dma_wait3A_94 = tpu.memref_squeeze %dma_wait3A_93 : memref<1x8x4096xf32, #tpu.memory_space<hbm>> -> memref<8x4096xf32, #tpu.memory_space<hbm>>
    tpu.wait_dma2 semaphore(%arg11 : memref<!tpu.dma_semaphore, #tpu.memory_space<semaphore_mem>>) src(%dma_wait3A_94 : memref<8x4096xf32, #tpu.memory_space<hbm>>) dst(%dma_wait3A_90 : memref<8x4096xf32, #tpu.memory_space<vmem>>)
    %parallel_loop3A_95 = arith.constant 0 : i32
    %parallel_loop3A_96 = arith.constant 2048 : i32
    %parallel_loop3A_97 = arith.constant 1 : i32
    scf.for %parallel_loop3A_98 = %parallel_loop3A_95 to %parallel_loop3A_96 step %parallel_loop3A_97  : i32 {
      %parallel_loop3A_99 = arith.constant 8 : i32
      %parallel_loop3A_100 = arith.shrsi %parallel_loop3A_98, %parallel_loop3A_99 : i32
      %parallel_loop3A_101 = arith.constant 255 : i32
      %parallel_loop3A_102 = arith.andi %parallel_loop3A_98, %parallel_loop3A_101 : i32
      %parallel_loop3A_103 = arith.constant 16 : i32
      %parallel_loop3A_104 = arith.muli %parallel_loop3A_102, %parallel_loop3A_103 : i32
      %parallel_loop3A_105 = arith.constant 1 : i32
      %parallel_loop3A_106 = arith.index_cast %parallel_loop3A_105 : i32 to index
      %parallel_loop3A_107 = arith.index_cast %parallel_loop3A_100 : i32 to index
      %parallel_loop3A_108 = arith.index_cast %parallel_loop3A_104 : i32 to index
      %parallel_loop3A_109 = tpu.vector_load %arg6[%parallel_loop3A_106, %parallel_loop3A_107, %parallel_loop3A_108] {strides = array<i32>} : memref<2x8x4096xf32, #tpu.memory_space<vmem>>, vector<16xf32>,
      %parallel_loop3A_110 = tpu.bitcast %parallel_loop3A_109 : vector<16xf32> -> vector<16xi32>
      %parallel_loop3A_111 = arith.constant 15 : i32
      %parallel_loop3A_112 = vector.broadcast %parallel_loop3A_111 : i32 to vector<16xi32>
      %parallel_loop3A_113 = arith.shrsi %parallel_loop3A_110, %parallel_loop3A_112 : vector<16xi32>
      %parallel_loop3A_114 = arith.cmpi eq, %parallel_loop3A_113, %get3A_15 : vector<16xi32>
      %parallel_loop3A_115 = arith.constant 32767 : i32
      %parallel_loop3A_116 = vector.broadcast %parallel_loop3A_115 : i32 to vector<16xi32>
      %parallel_loop3A_117 = arith.andi %parallel_loop3A_110, %parallel_loop3A_116 : vector<16xi32>
      tpu.vector_store_idx %arg7[%parallel_loop3A_117], %broadcast_in_dim3A_17 masked %parallel_loop3A_114 {add = true} : memref<32768xi32, #tpu.memory_space<vmem>>[vector<16xi32>], vector<16xi32>, vector<16xi1>
    } {sc.loop_unroll_factor = 16 : i64, sc.parallel_access}
    "tpu.region"() ({
      %run_scoped3A = tpu.sem_alloc : memref<!tpu.dma_semaphore, #tpu.memory_space<semaphore_mem>>
      %dma_start3A_98 = arith.constant 0 : i32
      %dma_start3A_99 = tpu.memref_slice %arg5[%add3A, %dma_start3A_98] : memref<32x32768xi32, #tpu.memory_space<hbm>> -> memref<1x32768xi32, #tpu.memory_space<hbm>>
      %dma_start3A_100 = tpu.memref_squeeze %dma_start3A_99 : memref<1x32768xi32, #tpu.memory_space<hbm>> -> memref<32768xi32, #tpu.memory_space<hbm>>
      %dma_start3A_101 = arith.constant 0 : i32
      %dma_start3A_102 = tpu.memref_slice %arg5[%add3A, %dma_start3A_101] : memref<32x32768xi32, #tpu.memory_space<hbm>> -> memref<1x32768xi32, #tpu.memory_space<hbm>>
      %dma_start3A_103 = tpu.memref_squeeze %dma_start3A_102 : memref<1x32768xi32, #tpu.memory_space<hbm>> -> memref<32768xi32, #tpu.memory_space<hbm>>
      tpu.enqueue_dma source(%arg7 : memref<32768xi32, #tpu.memory_space<vmem>>) target(%dma_start3A_103 : memref<32768xi32, #tpu.memory_space<hbm>>) target_semaphore(%run_scoped3A : memref<!tpu.dma_semaphore, #tpu.memory_space<semaphore_mem>>)
      %dma_wait3A_104 = arith.constant 0 : i32
      %dma_wait3A_105 = tpu.memref_slice %arg5[%add3A, %dma_wait3A_104] : memref<32x32768xi32, #tpu.memory_space<hbm>> -> memref<1x32768xi32, #tpu.memory_space<hbm>>
      %dma_wait3A_106 = tpu.memref_squeeze %dma_wait3A_105 : memref<1x32768xi32, #tpu.memory_space<hbm>> -> memref<32768xi32, #tpu.memory_space<hbm>>
      %dma_wait3A_107 = arith.constant 0 : i32
      %dma_wait3A_108 = tpu.memref_slice %arg5[%add3A, %dma_wait3A_107] : memref<32x32768xi32, #tpu.memory_space<hbm>> -> memref<1x32768xi32, #tpu.memory_space<hbm>>
      %dma_wait3A_109 = tpu.memref_squeeze %dma_wait3A_108 : memref<1x32768xi32, #tpu.memory_space<hbm>> -> memref<32768xi32, #tpu.memory_space<hbm>>
      tpu.wait_dma2 semaphore(%run_scoped3A : memref<!tpu.dma_semaphore, #tpu.memory_space<semaphore_mem>>) src(%arg7 : memref<32768xi32, #tpu.memory_space<vmem>>) dst(%dma_wait3A_109 : memref<32768xi32, #tpu.memory_space<hbm>>)
      tpu.yield
    }) : () -> ()
    return
  }
}

#map = affine_map<(d0, d1) -> (0, 0, 0)>
#map1 = affine_map<(d0, d1) -> (0)>
#map2 = affine_map<(d0, d1) -> (0, 0)>
module attributes {stable_mosaic.version = 14 : i64} {
  func.func @_pass(%arg0: i32, %arg1: i32, %arg2: memref<2x4096x4096xf32, #tpu.memory_space<hbm>>, %arg3: memref<16xi32, #tpu.memory_space<hbm>>, %arg4: memref<16xi32, #tpu.memory_space<hbm>>, %arg5: memref<32x32768xi32, #tpu.memory_space<hbm>>, %arg6: memref<2x8x4096xf32, #tpu.memory_space<vmem>>, %arg7: memref<32768xi32, #tpu.memory_space<vmem>>, %arg8: memref<16xi32, #tpu.memory_space<vmem>>, %arg9: memref<16xi32, #tpu.memory_space<vmem>>, %arg10: memref<!tpu.dma_semaphore, #tpu.memory_space<semaphore_mem>>, %arg11: memref<!tpu.dma_semaphore, #tpu.memory_space<semaphore_mem>>) attributes {dimension_semantics = [#tpu.dimension_semantics<core_parallel>, #tpu.dimension_semantics<subcore_parallel>], iteration_bounds = array<i64: 2, 16>, scalar_prefetch = 0 : i64, scratch_operands = 6 : i64, tpu.core_type = #tpu.core_type<sc_vector_subcore>, window_params = [{transform_indices = #map}, {transform_indices = #map1}, {transform_indices = #map1}, {transform_indices = #map2}]} {
    %mul3A = arith.constant 2 : i32
    %mul3A_0 = arith.muli %arg1, %mul3A : i32
    %add3A = arith.addi %mul3A_0, %arg0 : i32
    %mul3A_1 = arith.constant 128 : i32
    %mul3A_2 = arith.muli %add3A, %mul3A_1 : i32
    %broadcast_in_dim3A = arith.constant 0 : i32
    %broadcast_in_dim3A_3 = vector.broadcast %broadcast_in_dim3A : i32 to vector<16xi32>
    %parallel_loop3A = arith.constant 0 : i32
    %parallel_loop3A_4 = arith.constant 2048 : i32
    %parallel_loop3A_5 = arith.constant 1 : i32
    scf.for %parallel_loop3A_98 = %parallel_loop3A to %parallel_loop3A_4 step %parallel_loop3A_5  : i32 {
      %parallel_loop3A_99 = arith.constant 16 : i32
      %parallel_loop3A_100 = arith.muli %parallel_loop3A_98, %parallel_loop3A_99 : i32
      %parallel_loop3A_101 = arith.index_cast %parallel_loop3A_100 : i32 to index
      %parallel_loop3A_102 = tpu.vector_load %arg7[%parallel_loop3A_101] {strides = array<i32>} : memref<32768xi32, #tpu.memory_space<vmem>>, vector<16xi32>,
      tpu.vector_store %arg7[%parallel_loop3A_101], %broadcast_in_dim3A_3 {strides = array<i32>} : memref<32768xi32, #tpu.memory_space<vmem>>, vector<16xi32>,
    } {sc.loop_unroll_factor = 4 : i64, sc.parallel_access}
    "tpu.region"() ({
      %run_scoped3A = tpu.sem_alloc : memref<!tpu.dma_semaphore, #tpu.memory_space<semaphore_mem>>
      tpu.enqueue_dma source(%arg3 : memref<16xi32, #tpu.memory_space<hbm>>) target(%arg8 : memref<16xi32, #tpu.memory_space<vmem>>) target_semaphore(%run_scoped3A : memref<!tpu.dma_semaphore, #tpu.memory_space<semaphore_mem>>)
      tpu.wait_dma2 semaphore(%run_scoped3A : memref<!tpu.dma_semaphore, #tpu.memory_space<semaphore_mem>>) src(%arg3 : memref<16xi32, #tpu.memory_space<hbm>>) dst(%arg8 : memref<16xi32, #tpu.memory_space<vmem>>)
      tpu.yield
    }) : () -> ()
    %get3A = arith.constant 0 : index
    %get3A_6 = tpu.vector_load %arg8[%get3A] {strides = array<i32>} : memref<16xi32, #tpu.memory_space<vmem>>, vector<16xi32>,
    %reduce_max3A = arith.constant true
    %reduce_max3A_7 = vector.broadcast %reduce_max3A : i1 to vector<16xi1>
    %reduce_max3A_8 = arith.constant -2147483648 : i32
    %reduce_max3A_9 = vector.broadcast %reduce_max3A_8 : i32 to vector<16xi32>
    %reduce_max3A_10 = arith.xori %get3A_6, %reduce_max3A_9 : vector<16xi32>
    %reduce_max3A_11 = tpu.scan <max>, %reduce_max3A_10 masked %reduce_max3A_7 : vector<16xi32>, vector<16xi1> -> vector<16xi32>
    %reduce_max3A_12 = arith.xori %reduce_max3A_11, %reduce_max3A_9 : vector<16xi32>
    %reduce_max3A_13 = vector.extract %reduce_max3A_12[15] : i32 from vector<16xi32>
    "tpu.region"() ({
      %run_scoped3A = tpu.sem_alloc : memref<!tpu.dma_semaphore, #tpu.memory_space<semaphore_mem>>
      tpu.enqueue_dma source(%arg4 : memref<16xi32, #tpu.memory_space<hbm>>) target(%arg9 : memref<16xi32, #tpu.memory_space<vmem>>) target_semaphore(%run_scoped3A : memref<!tpu.dma_semaphore, #tpu.memory_space<semaphore_mem>>)
      tpu.wait_dma2 semaphore(%run_scoped3A : memref<!tpu.dma_semaphore, #tpu.memory_space<semaphore_mem>>) src(%arg4 : memref<16xi32, #tpu.memory_space<hbm>>) dst(%arg9 : memref<16xi32, #tpu.memory_space<vmem>>)
      tpu.yield
    }) : () -> ()
    %get3A_14 = arith.constant 0 : index
    %get3A_15 = tpu.vector_load %arg9[%get3A_14] {strides = array<i32>} : memref<16xi32, #tpu.memory_space<vmem>>, vector<16xi32>,
    %broadcast_in_dim3A_16 = arith.constant 1 : i32
    %broadcast_in_dim3A_17 = vector.broadcast %broadcast_in_dim3A_16 : i32 to vector<16xi32>
    %add3A_18 = arith.constant 0 : i32
    %add3A_19 = arith.addi %mul3A_2, %add3A_18 : i32
    %multiple_of3A = tpu.assume_multiple %add3A_19, 8 : i32
    %dma_start3A = arith.constant 0 : i32
    %dma_start3A_20 = arith.constant 0 : i32
    %dma_start3A_21 = arith.constant 0 : i32
    %dma_start3A_22 = tpu.memref_slice %arg6[%dma_start3A, %dma_start3A_20, %dma_start3A_21] : memref<2x8x4096xf32, #tpu.memory_space<vmem>> -> memref<1x8x4096xf32, #tpu.memory_space<vmem>>
    %dma_start3A_23 = tpu.memref_squeeze %dma_start3A_22 : memref<1x8x4096xf32, #tpu.memory_space<vmem>> -> memref<8x4096xf32, #tpu.memory_space<vmem>>
    %dma_start3A_24 = arith.constant 0 : i32
    %dma_start3A_25 = tpu.memref_slice %arg2[%reduce_max3A_13, %multiple_of3A, %dma_start3A_24] : memref<2x4096x4096xf32, #tpu.memory_space<hbm>> -> memref<1x8x4096xf32, #tpu.memory_space<hbm>>
    %dma_start3A_26 = tpu.memref_squeeze %dma_start3A_25 : memref<1x8x4096xf32, #tpu.memory_space<hbm>> -> memref<8x4096xf32, #tpu.memory_space<hbm>>
    %dma_start3A_27 = arith.constant 0 : i32
    %dma_start3A_28 = arith.constant 0 : i32
    %dma_start3A_29 = tpu.memref_slice %arg6[%dma_start3A, %dma_start3A_27, %dma_start3A_28] : memref<2x8x4096xf32, #tpu.memory_space<vmem>> -> memref<1x8x4096xf32, #tpu.memory_space<vmem>>
    %dma_start3A_30 = tpu.memref_squeeze %dma_start3A_29 : memref<1x8x4096xf32, #tpu.memory_space<vmem>> -> memref<8x4096xf32, #tpu.memory_space<vmem>>
    %dma_start3A_31 = arith.constant 0 : i32
    %dma_start3A_32 = tpu.memref_slice %arg2[%reduce_max3A_13, %multiple_of3A, %dma_start3A_31] : memref<2x4096x4096xf32, #tpu.memory_space<hbm>> -> memref<1x8x4096xf32, #tpu.memory_space<hbm>>
    %dma_start3A_33 = tpu.memref_squeeze %dma_start3A_32 : memref<1x8x4096xf32, #tpu.memory_space<hbm>> -> memref<8x4096xf32, #tpu.memory_space<hbm>>
    tpu.enqueue_dma source(%dma_start3A_33 : memref<8x4096xf32, #tpu.memory_space<hbm>>) target(%dma_start3A_30 : memref<8x4096xf32, #tpu.memory_space<vmem>>) target_semaphore(%arg10 : memref<!tpu.dma_semaphore, #tpu.memory_space<semaphore_mem>>)
    %scan3A = arith.constant 0 : i32
    %scan3A_34 = arith.constant 0 : i32
    %scan3A_35 = arith.constant 7 : i32
    %scan3A_36 = arith.addi %scan3A_34, %scan3A_35 : i32
    %scan3A_37 = arith.constant 1 : i32
    scf.for %scan3A_98 = %scan3A_34 to %scan3A_36 step %scan3A_37  : i32 {
      %mul3A_99 = arith.constant 2 : i32
      %mul3A_100 = arith.muli %mul3A_99, %scan3A_98 : i32
      %add3A_101 = arith.constant 1 : i32
      %add3A_102 = arith.addi %mul3A_100, %add3A_101 : i32
      %mul3A_103 = arith.constant 8 : i32
      %mul3A_104 = arith.muli %add3A_102, %mul3A_103 : i32
      %add3A_105 = arith.addi %mul3A_2, %mul3A_104 : i32
      %multiple_of3A_106 = tpu.assume_multiple %add3A_105, 8 : i32
      %dma_start3A_107 = arith.constant 1 : i32
      %dma_start3A_108 = arith.constant 0 : i32
      %dma_start3A_109 = arith.constant 0 : i32
      %dma_start3A_110 = tpu.memref_slice %arg6[%dma_start3A_107, %dma_start3A_108, %dma_start3A_109] : memref<2x8x4096xf32, #tpu.memory_space<vmem>> -> memref<1x8x4096xf32, #tpu.memory_space<vmem>>
      %dma_start3A_111 = tpu.memref_squeeze %dma_start3A_110 : memref<1x8x4096xf32, #tpu.memory_space<vmem>> -> memref<8x4096xf32, #tpu.memory_space<vmem>>
      %dma_start3A_112 = arith.constant 0 : i32
      %dma_start3A_113 = tpu.memref_slice %arg2[%reduce_max3A_13, %multiple_of3A_106, %dma_start3A_112] : memref<2x4096x4096xf32, #tpu.memory_space<hbm>> -> memref<1x8x4096xf32, #tpu.memory_space<hbm>>
      %dma_start3A_114 = tpu.memref_squeeze %dma_start3A_113 : memref<1x8x4096xf32, #tpu.memory_space<hbm>> -> memref<8x4096xf32, #tpu.memory_space<hbm>>
      %dma_start3A_115 = arith.constant 0 : i32
      %dma_start3A_116 = arith.constant 0 : i32
      %dma_start3A_117 = tpu.memref_slice %arg6[%dma_start3A_107, %dma_start3A_115, %dma_start3A_116] : memref<2x8x4096xf32, #tpu.memory_space<vmem>> -> memref<1x8x4096xf32, #tpu.memory_space<vmem>>
      %dma_start3A_118 = tpu.memref_squeeze %dma_start3A_117 : memref<1x8x4096xf32, #tpu.memory_space<vmem>> -> memref<8x4096xf32, #tpu.memory_space<vmem>>
      %dma_start3A_119 = arith.constant 0 : i32
      %dma_start3A_120 = tpu.memref_slice %arg2[%reduce_max3A_13, %multiple_of3A_106, %dma_start3A_119] : memref<2x4096x4096xf32, #tpu.memory_space<hbm>> -> memref<1x8x4096xf32, #tpu.memory_space<hbm>>
      %dma_start3A_121 = tpu.memref_squeeze %dma_start3A_120 : memref<1x8x4096xf32, #tpu.memory_space<hbm>> -> memref<8x4096xf32, #tpu.memory_space<hbm>>
      tpu.enqueue_dma source(%dma_start3A_121 : memref<8x4096xf32, #tpu.memory_space<hbm>>) target(%dma_start3A_118 : memref<8x4096xf32, #tpu.memory_space<vmem>>) target_semaphore(%arg11 : memref<!tpu.dma_semaphore, #tpu.memory_space<semaphore_mem>>)
      %dma_wait3A_122 = arith.constant 0 : i32
      %dma_wait3A_123 = arith.constant 0 : i32
      %dma_wait3A_124 = arith.constant 0 : i32
      %dma_wait3A_125 = arith.constant 0 : i32
      %dma_wait3A_126 = tpu.memref_slice %arg6[%dma_wait3A_123, %dma_wait3A_124, %dma_wait3A_125] : memref<2x8x4096xf32, #tpu.memory_space<vmem>> -> memref<1x8x4096xf32, #tpu.memory_space<vmem>>
      %dma_wait3A_127 = tpu.memref_squeeze %dma_wait3A_126 : memref<1x8x4096xf32, #tpu.memory_space<vmem>> -> memref<8x4096xf32, #tpu.memory_space<vmem>>
      %dma_wait3A_128 = arith.constant 0 : i32
      %dma_wait3A_129 = arith.constant 0 : i32
      %dma_wait3A_130 = tpu.memref_slice %arg2[%dma_wait3A_122, %dma_wait3A_128, %dma_wait3A_129] : memref<2x4096x4096xf32, #tpu.memory_space<hbm>> -> memref<1x8x4096xf32, #tpu.memory_space<hbm>>
      %dma_wait3A_131 = tpu.memref_squeeze %dma_wait3A_130 : memref<1x8x4096xf32, #tpu.memory_space<hbm>> -> memref<8x4096xf32, #tpu.memory_space<hbm>>
      %dma_wait3A_132 = arith.constant 0 : i32
      %dma_wait3A_133 = arith.constant 0 : i32
      %dma_wait3A_134 = tpu.memref_slice %arg6[%dma_wait3A_123, %dma_wait3A_132, %dma_wait3A_133] : memref<2x8x4096xf32, #tpu.memory_space<vmem>> -> memref<1x8x4096xf32, #tpu.memory_space<vmem>>
      %dma_wait3A_135 = tpu.memref_squeeze %dma_wait3A_134 : memref<1x8x4096xf32, #tpu.memory_space<vmem>> -> memref<8x4096xf32, #tpu.memory_space<vmem>>
      %dma_wait3A_136 = arith.constant 0 : i32
      %dma_wait3A_137 = arith.constant 0 : i32
      %dma_wait3A_138 = tpu.memref_slice %arg2[%dma_wait3A_122, %dma_wait3A_136, %dma_wait3A_137] : memref<2x4096x4096xf32, #tpu.memory_space<hbm>> -> memref<1x8x4096xf32, #tpu.memory_space<hbm>>
      %dma_wait3A_139 = tpu.memref_squeeze %dma_wait3A_138 : memref<1x8x4096xf32, #tpu.memory_space<hbm>> -> memref<8x4096xf32, #tpu.memory_space<hbm>>
      tpu.wait_dma2 semaphore(%arg10 : memref<!tpu.dma_semaphore, #tpu.memory_space<semaphore_mem>>) src(%dma_wait3A_139 : memref<8x4096xf32, #tpu.memory_space<hbm>>) dst(%dma_wait3A_135 : memref<8x4096xf32, #tpu.memory_space<vmem>>)
      %parallel_loop3A_140 = arith.constant 0 : i32
      %parallel_loop3A_141 = arith.constant 2048 : i32
      %parallel_loop3A_142 = arith.constant 1 : i32
      scf.for %parallel_loop3A_187 = %parallel_loop3A_140 to %parallel_loop3A_141 step %parallel_loop3A_142  : i32 {
        %parallel_loop3A_188 = arith.constant 8 : i32
        %parallel_loop3A_189 = arith.shrsi %parallel_loop3A_187, %parallel_loop3A_188 : i32
        %parallel_loop3A_190 = arith.constant 255 : i32
        %parallel_loop3A_191 = arith.andi %parallel_loop3A_187, %parallel_loop3A_190 : i32
        %parallel_loop3A_192 = arith.constant 16 : i32
        %parallel_loop3A_193 = arith.muli %parallel_loop3A_191, %parallel_loop3A_192 : i32
        %parallel_loop3A_194 = arith.constant 0 : i32
        %parallel_loop3A_195 = arith.index_cast %parallel_loop3A_194 : i32 to index
        %parallel_loop3A_196 = arith.index_cast %parallel_loop3A_189 : i32 to index
        %parallel_loop3A_197 = arith.index_cast %parallel_loop3A_193 : i32 to index
        %parallel_loop3A_198 = tpu.vector_load %arg6[%parallel_loop3A_195, %parallel_loop3A_196, %parallel_loop3A_197] {strides = array<i32>} : memref<2x8x4096xf32, #tpu.memory_space<vmem>>, vector<16xf32>,
        %parallel_loop3A_199 = tpu.bitcast %parallel_loop3A_198 : vector<16xf32> -> vector<16xi32>
        %parallel_loop3A_200 = arith.constant 15 : i32
        %parallel_loop3A_201 = vector.broadcast %parallel_loop3A_200 : i32 to vector<16xi32>
        %parallel_loop3A_202 = arith.shrsi %parallel_loop3A_199, %parallel_loop3A_201 : vector<16xi32>
        tpu.vector_store_idx %arg7[%parallel_loop3A_202], %broadcast_in_dim3A_17 {add = true} : memref<32768xi32, #tpu.memory_space<vmem>>[vector<16xi32>], vector<16xi32>,
      } {sc.loop_unroll_factor = 16 : i64, sc.parallel_access}
      %mul3A_143 = arith.constant 2 : i32
      %mul3A_144 = arith.muli %mul3A_143, %scan3A_98 : i32
      %add3A_145 = arith.constant 2 : i32
      %add3A_146 = arith.addi %mul3A_144, %add3A_145 : i32
      %mul3A_147 = arith.constant 8 : i32
      %mul3A_148 = arith.muli %add3A_146, %mul3A_147 : i32
      %add3A_149 = arith.addi %mul3A_2, %mul3A_148 : i32
      %multiple_of3A_150 = tpu.assume_multiple %add3A_149, 8 : i32
      %dma_start3A_151 = arith.constant 0 : i32
      %dma_start3A_152 = arith.constant 0 : i32
      %dma_start3A_153 = arith.constant 0 : i32
      %dma_start3A_154 = tpu.memref_slice %arg6[%dma_start3A_151, %dma_start3A_152, %dma_start3A_153] : memref<2x8x4096xf32, #tpu.memory_space<vmem>> -> memref<1x8x4096xf32, #tpu.memory_space<vmem>>
      %dma_start3A_155 = tpu.memref_squeeze %dma_start3A_154 : memref<1x8x4096xf32, #tpu.memory_space<vmem>> -> memref<8x4096xf32, #tpu.memory_space<vmem>>
      %dma_start3A_156 = arith.constant 0 : i32
      %dma_start3A_157 = tpu.memref_slice %arg2[%reduce_max3A_13, %multiple_of3A_150, %dma_start3A_156] : memref<2x4096x4096xf32, #tpu.memory_space<hbm>> -> memref<1x8x4096xf32, #tpu.memory_space<hbm>>
      %dma_start3A_158 = tpu.memref_squeeze %dma_start3A_157 : memref<1x8x4096xf32, #tpu.memory_space<hbm>> -> memref<8x4096xf32, #tpu.memory_space<hbm>>
      %dma_start3A_159 = arith.constant 0 : i32
      %dma_start3A_160 = arith.constant 0 : i32
      %dma_start3A_161 = tpu.memref_slice %arg6[%dma_start3A_151, %dma_start3A_159, %dma_start3A_160] : memref<2x8x4096xf32, #tpu.memory_space<vmem>> -> memref<1x8x4096xf32, #tpu.memory_space<vmem>>
      %dma_start3A_162 = tpu.memref_squeeze %dma_start3A_161 : memref<1x8x4096xf32, #tpu.memory_space<vmem>> -> memref<8x4096xf32, #tpu.memory_space<vmem>>
      %dma_start3A_163 = arith.constant 0 : i32
      %dma_start3A_164 = tpu.memref_slice %arg2[%reduce_max3A_13, %multiple_of3A_150, %dma_start3A_163] : memref<2x4096x4096xf32, #tpu.memory_space<hbm>> -> memref<1x8x4096xf32, #tpu.memory_space<hbm>>
      %dma_start3A_165 = tpu.memref_squeeze %dma_start3A_164 : memref<1x8x4096xf32, #tpu.memory_space<hbm>> -> memref<8x4096xf32, #tpu.memory_space<hbm>>
      tpu.enqueue_dma source(%dma_start3A_165 : memref<8x4096xf32, #tpu.memory_space<hbm>>) target(%dma_start3A_162 : memref<8x4096xf32, #tpu.memory_space<vmem>>) target_semaphore(%arg10 : memref<!tpu.dma_semaphore, #tpu.memory_space<semaphore_mem>>)
      %dma_wait3A_166 = arith.constant 0 : i32
      %dma_wait3A_167 = arith.constant 1 : i32
      %dma_wait3A_168 = arith.constant 0 : i32
      %dma_wait3A_169 = arith.constant 0 : i32
      %dma_wait3A_170 = tpu.memref_slice %arg6[%dma_wait3A_167, %dma_wait3A_168, %dma_wait3A_169] : memref<2x8x4096xf32, #tpu.memory_space<vmem>> -> memref<1x8x4096xf32, #tpu.memory_space<vmem>>
      %dma_wait3A_171 = tpu.memref_squeeze %dma_wait3A_170 : memref<1x8x4096xf32, #tpu.memory_space<vmem>> -> memref<8x4096xf32, #tpu.memory_space<vmem>>
      %dma_wait3A_172 = arith.constant 0 : i32
      %dma_wait3A_173 = arith.constant 0 : i32
      %dma_wait3A_174 = tpu.memref_slice %arg2[%dma_wait3A_166, %dma_wait3A_172, %dma_wait3A_173] : memref<2x4096x4096xf32, #tpu.memory_space<hbm>> -> memref<1x8x4096xf32, #tpu.memory_space<hbm>>
      %dma_wait3A_175 = tpu.memref_squeeze %dma_wait3A_174 : memref<1x8x4096xf32, #tpu.memory_space<hbm>> -> memref<8x4096xf32, #tpu.memory_space<hbm>>
      %dma_wait3A_176 = arith.constant 0 : i32
      %dma_wait3A_177 = arith.constant 0 : i32
      %dma_wait3A_178 = tpu.memref_slice %arg6[%dma_wait3A_167, %dma_wait3A_176, %dma_wait3A_177] : memref<2x8x4096xf32, #tpu.memory_space<vmem>> -> memref<1x8x4096xf32, #tpu.memory_space<vmem>>
      %dma_wait3A_179 = tpu.memref_squeeze %dma_wait3A_178 : memref<1x8x4096xf32, #tpu.memory_space<vmem>> -> memref<8x4096xf32, #tpu.memory_space<vmem>>
      %dma_wait3A_180 = arith.constant 0 : i32
      %dma_wait3A_181 = arith.constant 0 : i32
      %dma_wait3A_182 = tpu.memref_slice %arg2[%dma_wait3A_166, %dma_wait3A_180, %dma_wait3A_181] : memref<2x4096x4096xf32, #tpu.memory_space<hbm>> -> memref<1x8x4096xf32, #tpu.memory_space<hbm>>
      %dma_wait3A_183 = tpu.memref_squeeze %dma_wait3A_182 : memref<1x8x4096xf32, #tpu.memory_space<hbm>> -> memref<8x4096xf32, #tpu.memory_space<hbm>>
      tpu.wait_dma2 semaphore(%arg11 : memref<!tpu.dma_semaphore, #tpu.memory_space<semaphore_mem>>) src(%dma_wait3A_183 : memref<8x4096xf32, #tpu.memory_space<hbm>>) dst(%dma_wait3A_179 : memref<8x4096xf32, #tpu.memory_space<vmem>>)
      %parallel_loop3A_184 = arith.constant 0 : i32
      %parallel_loop3A_185 = arith.constant 2048 : i32
      %parallel_loop3A_186 = arith.constant 1 : i32
      scf.for %parallel_loop3A_187 = %parallel_loop3A_184 to %parallel_loop3A_185 step %parallel_loop3A_186  : i32 {
        %parallel_loop3A_188 = arith.constant 8 : i32
        %parallel_loop3A_189 = arith.shrsi %parallel_loop3A_187, %parallel_loop3A_188 : i32
        %parallel_loop3A_190 = arith.constant 255 : i32
        %parallel_loop3A_191 = arith.andi %parallel_loop3A_187, %parallel_loop3A_190 : i32
        %parallel_loop3A_192 = arith.constant 16 : i32
        %parallel_loop3A_193 = arith.muli %parallel_loop3A_191, %parallel_loop3A_192 : i32
        %parallel_loop3A_194 = arith.constant 1 : i32
        %parallel_loop3A_195 = arith.index_cast %parallel_loop3A_194 : i32 to index
        %parallel_loop3A_196 = arith.index_cast %parallel_loop3A_189 : i32 to index
        %parallel_loop3A_197 = arith.index_cast %parallel_loop3A_193 : i32 to index
        %parallel_loop3A_198 = tpu.vector_load %arg6[%parallel_loop3A_195, %parallel_loop3A_196, %parallel_loop3A_197] {strides = array<i32>} : memref<2x8x4096xf32, #tpu.memory_space<vmem>>, vector<16xf32>,
        %parallel_loop3A_199 = tpu.bitcast %parallel_loop3A_198 : vector<16xf32> -> vector<16xi32>
        %parallel_loop3A_200 = arith.constant 15 : i32
        %parallel_loop3A_201 = vector.broadcast %parallel_loop3A_200 : i32 to vector<16xi32>
        %parallel_loop3A_202 = arith.shrsi %parallel_loop3A_199, %parallel_loop3A_201 : vector<16xi32>
        tpu.vector_store_idx %arg7[%parallel_loop3A_202], %broadcast_in_dim3A_17 {add = true} : memref<32768xi32, #tpu.memory_space<vmem>>[vector<16xi32>], vector<16xi32>,
      } {sc.loop_unroll_factor = 16 : i64, sc.parallel_access}
    }
    %scan3A_38 = arith.constant 7 : i32
    %add3A_39 = arith.constant 120 : i32
    %add3A_40 = arith.addi %mul3A_2, %add3A_39 : i32
    %multiple_of3A_41 = tpu.assume_multiple %add3A_40, 8 : i32
    %dma_start3A_42 = arith.constant 1 : i32
    %dma_start3A_43 = arith.constant 0 : i32
    %dma_start3A_44 = arith.constant 0 : i32
    %dma_start3A_45 = tpu.memref_slice %arg6[%dma_start3A_42, %dma_start3A_43, %dma_start3A_44] : memref<2x8x4096xf32, #tpu.memory_space<vmem>> -> memref<1x8x4096xf32, #tpu.memory_space<vmem>>
    %dma_start3A_46 = tpu.memref_squeeze %dma_start3A_45 : memref<1x8x4096xf32, #tpu.memory_space<vmem>> -> memref<8x4096xf32, #tpu.memory_space<vmem>>
    %dma_start3A_47 = arith.constant 0 : i32
    %dma_start3A_48 = tpu.memref_slice %arg2[%reduce_max3A_13, %multiple_of3A_41, %dma_start3A_47] : memref<2x4096x4096xf32, #tpu.memory_space<hbm>> -> memref<1x8x4096xf32, #tpu.memory_space<hbm>>
    %dma_start3A_49 = tpu.memref_squeeze %dma_start3A_48 : memref<1x8x4096xf32, #tpu.memory_space<hbm>> -> memref<8x4096xf32, #tpu.memory_space<hbm>>
    %dma_start3A_50 = arith.constant 0 : i32
    %dma_start3A_51 = arith.constant 0 : i32
    %dma_start3A_52 = tpu.memref_slice %arg6[%dma_start3A_42, %dma_start3A_50, %dma_start3A_51] : memref<2x8x4096xf32, #tpu.memory_space<vmem>> -> memref<1x8x4096xf32, #tpu.memory_space<vmem>>
    %dma_start3A_53 = tpu.memref_squeeze %dma_start3A_52 : memref<1x8x4096xf32, #tpu.memory_space<vmem>> -> memref<8x4096xf32, #tpu.memory_space<vmem>>
    %dma_start3A_54 = arith.constant 0 : i32
    %dma_start3A_55 = tpu.memref_slice %arg2[%reduce_max3A_13, %multiple_of3A_41, %dma_start3A_54] : memref<2x4096x4096xf32, #tpu.memory_space<hbm>> -> memref<1x8x4096xf32, #tpu.memory_space<hbm>>
    %dma_start3A_56 = tpu.memref_squeeze %dma_start3A_55 : memref<1x8x4096xf32, #tpu.memory_space<hbm>> -> memref<8x4096xf32, #tpu.memory_space<hbm>>
    tpu.enqueue_dma source(%dma_start3A_56 : memref<8x4096xf32, #tpu.memory_space<hbm>>) target(%dma_start3A_53 : memref<8x4096xf32, #tpu.memory_space<vmem>>) target_semaphore(%arg11 : memref<!tpu.dma_semaphore, #tpu.memory_space<semaphore_mem>>)
    %dma_wait3A = arith.constant 0 : i32
    %dma_wait3A_57 = arith.constant 0 : i32
    %dma_wait3A_58 = arith.constant 0 : i32
    %dma_wait3A_59 = arith.constant 0 : i32
    %dma_wait3A_60 = tpu.memref_slice %arg6[%dma_wait3A_57, %dma_wait3A_58, %dma_wait3A_59] : memref<2x8x4096xf32, #tpu.memory_space<vmem>> -> memref<1x8x4096xf32, #tpu.memory_space<vmem>>
    %dma_wait3A_61 = tpu.memref_squeeze %dma_wait3A_60 : memref<1x8x4096xf32, #tpu.memory_space<vmem>> -> memref<8x4096xf32, #tpu.memory_space<vmem>>
    %dma_wait3A_62 = arith.constant 0 : i32
    %dma_wait3A_63 = arith.constant 0 : i32
    %dma_wait3A_64 = tpu.memref_slice %arg2[%dma_wait3A, %dma_wait3A_62, %dma_wait3A_63] : memref<2x4096x4096xf32, #tpu.memory_space<hbm>> -> memref<1x8x4096xf32, #tpu.memory_space<hbm>>
    %dma_wait3A_65 = tpu.memref_squeeze %dma_wait3A_64 : memref<1x8x4096xf32, #tpu.memory_space<hbm>> -> memref<8x4096xf32, #tpu.memory_space<hbm>>
    %dma_wait3A_66 = arith.constant 0 : i32
    %dma_wait3A_67 = arith.constant 0 : i32
    %dma_wait3A_68 = tpu.memref_slice %arg6[%dma_wait3A_57, %dma_wait3A_66, %dma_wait3A_67] : memref<2x8x4096xf32, #tpu.memory_space<vmem>> -> memref<1x8x4096xf32, #tpu.memory_space<vmem>>
    %dma_wait3A_69 = tpu.memref_squeeze %dma_wait3A_68 : memref<1x8x4096xf32, #tpu.memory_space<vmem>> -> memref<8x4096xf32, #tpu.memory_space<vmem>>
    %dma_wait3A_70 = arith.constant 0 : i32
    %dma_wait3A_71 = arith.constant 0 : i32
    %dma_wait3A_72 = tpu.memref_slice %arg2[%dma_wait3A, %dma_wait3A_70, %dma_wait3A_71] : memref<2x4096x4096xf32, #tpu.memory_space<hbm>> -> memref<1x8x4096xf32, #tpu.memory_space<hbm>>
    %dma_wait3A_73 = tpu.memref_squeeze %dma_wait3A_72 : memref<1x8x4096xf32, #tpu.memory_space<hbm>> -> memref<8x4096xf32, #tpu.memory_space<hbm>>
    tpu.wait_dma2 semaphore(%arg10 : memref<!tpu.dma_semaphore, #tpu.memory_space<semaphore_mem>>) src(%dma_wait3A_73 : memref<8x4096xf32, #tpu.memory_space<hbm>>) dst(%dma_wait3A_69 : memref<8x4096xf32, #tpu.memory_space<vmem>>)
    %parallel_loop3A_74 = arith.constant 0 : i32
    %parallel_loop3A_75 = arith.constant 2048 : i32
    %parallel_loop3A_76 = arith.constant 1 : i32
    scf.for %parallel_loop3A_98 = %parallel_loop3A_74 to %parallel_loop3A_75 step %parallel_loop3A_76  : i32 {
      %parallel_loop3A_99 = arith.constant 8 : i32
      %parallel_loop3A_100 = arith.shrsi %parallel_loop3A_98, %parallel_loop3A_99 : i32
      %parallel_loop3A_101 = arith.constant 255 : i32
      %parallel_loop3A_102 = arith.andi %parallel_loop3A_98, %parallel_loop3A_101 : i32
      %parallel_loop3A_103 = arith.constant 16 : i32
      %parallel_loop3A_104 = arith.muli %parallel_loop3A_102, %parallel_loop3A_103 : i32
      %parallel_loop3A_105 = arith.constant 0 : i32
      %parallel_loop3A_106 = arith.index_cast %parallel_loop3A_105 : i32 to index
      %parallel_loop3A_107 = arith.index_cast %parallel_loop3A_100 : i32 to index
      %parallel_loop3A_108 = arith.index_cast %parallel_loop3A_104 : i32 to index
      %parallel_loop3A_109 = tpu.vector_load %arg6[%parallel_loop3A_106, %parallel_loop3A_107, %parallel_loop3A_108] {strides = array<i32>} : memref<2x8x4096xf32, #tpu.memory_space<vmem>>, vector<16xf32>,
      %parallel_loop3A_110 = tpu.bitcast %parallel_loop3A_109 : vector<16xf32> -> vector<16xi32>
      %parallel_loop3A_111 = arith.constant 15 : i32
      %parallel_loop3A_112 = vector.broadcast %parallel_loop3A_111 : i32 to vector<16xi32>
      %parallel_loop3A_113 = arith.shrsi %parallel_loop3A_110, %parallel_loop3A_112 : vector<16xi32>
      tpu.vector_store_idx %arg7[%parallel_loop3A_113], %broadcast_in_dim3A_17 {add = true} : memref<32768xi32, #tpu.memory_space<vmem>>[vector<16xi32>], vector<16xi32>,
    } {sc.loop_unroll_factor = 16 : i64, sc.parallel_access}
    %dma_wait3A_77 = arith.constant 0 : i32
    %dma_wait3A_78 = arith.constant 1 : i32
    %dma_wait3A_79 = arith.constant 0 : i32
    %dma_wait3A_80 = arith.constant 0 : i32
    %dma_wait3A_81 = tpu.memref_slice %arg6[%dma_wait3A_78, %dma_wait3A_79, %dma_wait3A_80] : memref<2x8x4096xf32, #tpu.memory_space<vmem>> -> memref<1x8x4096xf32, #tpu.memory_space<vmem>>
    %dma_wait3A_82 = tpu.memref_squeeze %dma_wait3A_81 : memref<1x8x4096xf32, #tpu.memory_space<vmem>> -> memref<8x4096xf32, #tpu.memory_space<vmem>>
    %dma_wait3A_83 = arith.constant 0 : i32
    %dma_wait3A_84 = arith.constant 0 : i32
    %dma_wait3A_85 = tpu.memref_slice %arg2[%dma_wait3A_77, %dma_wait3A_83, %dma_wait3A_84] : memref<2x4096x4096xf32, #tpu.memory_space<hbm>> -> memref<1x8x4096xf32, #tpu.memory_space<hbm>>
    %dma_wait3A_86 = tpu.memref_squeeze %dma_wait3A_85 : memref<1x8x4096xf32, #tpu.memory_space<hbm>> -> memref<8x4096xf32, #tpu.memory_space<hbm>>
    %dma_wait3A_87 = arith.constant 0 : i32
    %dma_wait3A_88 = arith.constant 0 : i32
    %dma_wait3A_89 = tpu.memref_slice %arg6[%dma_wait3A_78, %dma_wait3A_87, %dma_wait3A_88] : memref<2x8x4096xf32, #tpu.memory_space<vmem>> -> memref<1x8x4096xf32, #tpu.memory_space<vmem>>
    %dma_wait3A_90 = tpu.memref_squeeze %dma_wait3A_89 : memref<1x8x4096xf32, #tpu.memory_space<vmem>> -> memref<8x4096xf32, #tpu.memory_space<vmem>>
    %dma_wait3A_91 = arith.constant 0 : i32
    %dma_wait3A_92 = arith.constant 0 : i32
    %dma_wait3A_93 = tpu.memref_slice %arg2[%dma_wait3A_77, %dma_wait3A_91, %dma_wait3A_92] : memref<2x4096x4096xf32, #tpu.memory_space<hbm>> -> memref<1x8x4096xf32, #tpu.memory_space<hbm>>
    %dma_wait3A_94 = tpu.memref_squeeze %dma_wait3A_93 : memref<1x8x4096xf32, #tpu.memory_space<hbm>> -> memref<8x4096xf32, #tpu.memory_space<hbm>>
    tpu.wait_dma2 semaphore(%arg11 : memref<!tpu.dma_semaphore, #tpu.memory_space<semaphore_mem>>) src(%dma_wait3A_94 : memref<8x4096xf32, #tpu.memory_space<hbm>>) dst(%dma_wait3A_90 : memref<8x4096xf32, #tpu.memory_space<vmem>>)
    %parallel_loop3A_95 = arith.constant 0 : i32
    %parallel_loop3A_96 = arith.constant 2048 : i32
    %parallel_loop3A_97 = arith.constant 1 : i32
    scf.for %parallel_loop3A_98 = %parallel_loop3A_95 to %parallel_loop3A_96 step %parallel_loop3A_97  : i32 {
      %parallel_loop3A_99 = arith.constant 8 : i32
      %parallel_loop3A_100 = arith.shrsi %parallel_loop3A_98, %parallel_loop3A_99 : i32
      %parallel_loop3A_101 = arith.constant 255 : i32
      %parallel_loop3A_102 = arith.andi %parallel_loop3A_98, %parallel_loop3A_101 : i32
      %parallel_loop3A_103 = arith.constant 16 : i32
      %parallel_loop3A_104 = arith.muli %parallel_loop3A_102, %parallel_loop3A_103 : i32
      %parallel_loop3A_105 = arith.constant 1 : i32
      %parallel_loop3A_106 = arith.index_cast %parallel_loop3A_105 : i32 to index
      %parallel_loop3A_107 = arith.index_cast %parallel_loop3A_100 : i32 to index
      %parallel_loop3A_108 = arith.index_cast %parallel_loop3A_104 : i32 to index
      %parallel_loop3A_109 = tpu.vector_load %arg6[%parallel_loop3A_106, %parallel_loop3A_107, %parallel_loop3A_108] {strides = array<i32>} : memref<2x8x4096xf32, #tpu.memory_space<vmem>>, vector<16xf32>,
      %parallel_loop3A_110 = tpu.bitcast %parallel_loop3A_109 : vector<16xf32> -> vector<16xi32>
      %parallel_loop3A_111 = arith.constant 15 : i32
      %parallel_loop3A_112 = vector.broadcast %parallel_loop3A_111 : i32 to vector<16xi32>
      %parallel_loop3A_113 = arith.shrsi %parallel_loop3A_110, %parallel_loop3A_112 : vector<16xi32>
      tpu.vector_store_idx %arg7[%parallel_loop3A_113], %broadcast_in_dim3A_17 {add = true} : memref<32768xi32, #tpu.memory_space<vmem>>[vector<16xi32>], vector<16xi32>,
    } {sc.loop_unroll_factor = 16 : i64, sc.parallel_access}
    "tpu.region"() ({
      %run_scoped3A = tpu.sem_alloc : memref<!tpu.dma_semaphore, #tpu.memory_space<semaphore_mem>>
      %dma_start3A_98 = arith.constant 0 : i32
      %dma_start3A_99 = tpu.memref_slice %arg5[%add3A, %dma_start3A_98] : memref<32x32768xi32, #tpu.memory_space<hbm>> -> memref<1x32768xi32, #tpu.memory_space<hbm>>
      %dma_start3A_100 = tpu.memref_squeeze %dma_start3A_99 : memref<1x32768xi32, #tpu.memory_space<hbm>> -> memref<32768xi32, #tpu.memory_space<hbm>>
      %dma_start3A_101 = arith.constant 0 : i32
      %dma_start3A_102 = tpu.memref_slice %arg5[%add3A, %dma_start3A_101] : memref<32x32768xi32, #tpu.memory_space<hbm>> -> memref<1x32768xi32, #tpu.memory_space<hbm>>
      %dma_start3A_103 = tpu.memref_squeeze %dma_start3A_102 : memref<1x32768xi32, #tpu.memory_space<hbm>> -> memref<32768xi32, #tpu.memory_space<hbm>>
      tpu.enqueue_dma source(%arg7 : memref<32768xi32, #tpu.memory_space<vmem>>) target(%dma_start3A_103 : memref<32768xi32, #tpu.memory_space<hbm>>) target_semaphore(%run_scoped3A : memref<!tpu.dma_semaphore, #tpu.memory_space<semaphore_mem>>)
      %dma_wait3A_104 = arith.constant 0 : i32
      %dma_wait3A_105 = tpu.memref_slice %arg5[%add3A, %dma_wait3A_104] : memref<32x32768xi32, #tpu.memory_space<hbm>> -> memref<1x32768xi32, #tpu.memory_space<hbm>>
      %dma_wait3A_106 = tpu.memref_squeeze %dma_wait3A_105 : memref<1x32768xi32, #tpu.memory_space<hbm>> -> memref<32768xi32, #tpu.memory_space<hbm>>
      %dma_wait3A_107 = arith.constant 0 : i32
      %dma_wait3A_108 = tpu.memref_slice %arg5[%add3A, %dma_wait3A_107] : memref<32x32768xi32, #tpu.memory_space<hbm>> -> memref<1x32768xi32, #tpu.memory_space<hbm>>
      %dma_wait3A_109 = tpu.memref_squeeze %dma_wait3A_108 : memref<1x32768xi32, #tpu.memory_space<hbm>> -> memref<32768xi32, #tpu.memory_space<hbm>>
      tpu.wait_dma2 semaphore(%run_scoped3A : memref<!tpu.dma_semaphore, #tpu.memory_space<semaphore_mem>>) src(%arg7 : memref<32768xi32, #tpu.memory_space<vmem>>) dst(%dma_wait3A_109 : memref<32768xi32, #tpu.memory_space<hbm>>)
      tpu.yield
    }) : () -> ()
    return
  }
}

module attributes {stable_mosaic.version = 14 : i64} {
  func.func @_count_body(%arg0: i32, %arg1: memref<256x4096xf32, #tpu.memory_space<vmem>>, %arg2: memref<1x1xi32, #tpu.memory_space<vmem>>) attributes {dimension_semantics = [#tpu.dimension_semantics<arbitrary>], iteration_bounds = array<i64: 16>, scalar_prefetch = 0 : i64, scratch_operands = 0 : i64, tpu.core_type = #tpu.core_type<tc>, window_params = [{transform_indices = @transform_0, window_bounds = array<i64: 256, 4096>}, {pipeline_mode = #tpu.pipeline_mode<synchronous>, transform_indices = @transform_1, window_bounds = array<i64: 1, 1>}]} {
    %eq3A = arith.constant 0 : i32
    %eq3A_0 = arith.cmpi eq, %arg0, %eq3A : i32
    %convert_element_type3A = arith.extui %eq3A_0 : i1 to i32
    %cond3A = arith.constant 0 : i32
    %cond3A_1 = arith.cmpi ne, %convert_element_type3A, %cond3A : i32
    scf.if %cond3A_1 {
      %broadcast_in_dim3A_16 = arith.constant 0 : i32
      %broadcast_in_dim3A_17 = vector.broadcast %broadcast_in_dim3A_16 : i32 to vector<1x1xi32>
      %swap3A_18 = arith.constant 0 : index
      %swap3A_19 = arith.constant 0 : index
      %swap3A_20 = vector.load %arg2[%swap3A_18, %swap3A_19] : memref<1x1xi32, #tpu.memory_space<vmem>>, vector<1x1xi32>
      tpu.vector_store %arg2[%swap3A_18, %swap3A_19], %broadcast_in_dim3A_17 {strides = array<i32>} : memref<1x1xi32, #tpu.memory_space<vmem>>, vector<1x1xi32>,
    } else {
    }
    %get3A = arith.constant 0 : index
    %get3A_2 = arith.constant 0 : index
    %get3A_3 = vector.load %arg1[%get3A, %get3A_2] : memref<256x4096xf32, #tpu.memory_space<vmem>>, vector<256x4096xf32>
    %abs3A = math.absf %get3A_3 : vector<256x4096xf32>
    %gt3A = arith.constant 0.000000e+00 : f32
    %gt3A_4 = vector.broadcast %gt3A : f32 to vector<256x4096xf32>
    %gt3A_5 = arith.cmpf ogt, %abs3A, %gt3A_4 : vector<256x4096xf32>
    %convert_element_type3A_6 = arith.extui %gt3A_5 : vector<256x4096xi1> to vector<256x4096xi32>
    %reduce_sum3A = vector.shape_cast %convert_element_type3A_6 : vector<256x4096xi32> to vector<1x256x4096xi32>
    %reduce_sum3A_7 = arith.constant dense<0> : vector<1xi32>
    %reduce_sum3A_8 = vector.multi_reduction <add>, %reduce_sum3A, %reduce_sum3A_7 [1, 2] : vector<1x256x4096xi32> to vector<1xi32>
    %reduce_sum3A_9 = vector.shape_cast %reduce_sum3A_8 : vector<1xi32> to vector<1x1x1xi32>
    %reduce_sum3A_10 = vector.extract %reduce_sum3A_9[0, 0, 0] : i32 from vector<1x1x1xi32>
    %get3A_11 = arith.constant 0 : index
    %get3A_12 = arith.constant 0 : index
    %get3A_13 = vector.load %arg2[%get3A_11, %get3A_12] : memref<1x1xi32, #tpu.memory_space<vmem>>, vector<1x1xi32>
    %broadcast_in_dim3A = vector.broadcast %reduce_sum3A_10 : i32 to vector<1x1xi32>
    %add3A = arith.addi %get3A_13, %broadcast_in_dim3A : vector<1x1xi32>
    %swap3A = arith.constant 0 : index
    %swap3A_14 = arith.constant 0 : index
    %swap3A_15 = vector.load %arg2[%swap3A, %swap3A_14] : memref<1x1xi32, #tpu.memory_space<vmem>>, vector<1x1xi32>
    tpu.vector_store %arg2[%swap3A, %swap3A_14], %add3A {strides = array<i32>} : memref<1x1xi32, #tpu.memory_space<vmem>>, vector<1x1xi32>,
    return
  }
  func.func @transform_0(%arg0: i32) -> (i32, i32) {
    %c0_i32 = arith.constant 0 : i32
    %c0_i32_0 = arith.constant 0 : i32
    return %arg0, %c0_i32 : i32, i32
  }
  func.func @transform_1(%arg0: i32) -> (i32, i32) {
    %c0_i32 = arith.constant 0 : i32
    %c0_i32_0 = arith.constant 0 : i32
    %c0_i32_1 = arith.constant 0 : i32
    return %c0_i32, %c0_i32_0 : i32, i32
  }
}

module attributes {stable_mosaic.version = 14 : i64} {
  func.func @_final_body(%arg0: i32, %arg1: memref<2xi32, #tpu.memory_space<smem>>, %arg2: memref<256x4096xf32, #tpu.memory_space<vmem>>, %arg3: memref<1x256x4096xf32, #tpu.memory_space<vmem>>, %arg4: memref<256x4096xf32, #tpu.memory_space<vmem>>) attributes {dimension_semantics = [#tpu.dimension_semantics<arbitrary>], iteration_bounds = array<i64: 16>, scalar_prefetch = 1 : i64, scratch_operands = 0 : i64, tpu.core_type = #tpu.core_type<tc>, window_params = [{transform_indices = @transform_0, window_bounds = array<i64: 256, 4096>}, {transform_indices = @transform_1, window_bounds = array<i64: 1, 256, 4096>}, {transform_indices = @transform_2, window_bounds = array<i64: 256, 4096>}]} {
    %get3A = arith.constant 1 : index
    %get3A_0 = memref.load %arg1[%get3A] : memref<2xi32, #tpu.memory_space<smem>>
    %bitcast_convert_type3A = arith.bitcast %get3A_0 : i32 to f32
    %get3A_1 = arith.constant 0 : index
    %get3A_2 = arith.constant 0 : index
    %get3A_3 = arith.constant 0 : index
    %get3A_4 = vector.load %arg3[%get3A_1, %get3A_2, %get3A_3] : memref<1x256x4096xf32, #tpu.memory_space<vmem>>, vector<1x256x4096xf32>
    %get3A_5 = vector.shape_cast %get3A_4 : vector<1x256x4096xf32> to vector<256x4096xf32>
    %abs3A = math.absf %get3A_5 : vector<256x4096xf32>
    %lt3A = vector.broadcast %bitcast_convert_type3A : f32 to vector<256x4096xf32>
    %lt3A_6 = arith.cmpf olt, %abs3A, %lt3A : vector<256x4096xf32>
    %convert_element_type3A = arith.extui %lt3A_6 : vector<256x4096xi1> to vector<256x4096xi32>
    %convert_element_type3A_7 = arith.sitofp %convert_element_type3A : vector<256x4096xi32> to vector<256x4096xf32>
    %get3A_8 = arith.constant 0 : index
    %get3A_9 = arith.constant 0 : index
    %get3A_10 = vector.load %arg2[%get3A_8, %get3A_9] : memref<256x4096xf32, #tpu.memory_space<vmem>>, vector<256x4096xf32>
    %add3A = arith.addf %get3A_10, %convert_element_type3A_7 : vector<256x4096xf32>
    %swap3A = arith.constant 0 : index
    %swap3A_11 = arith.constant 0 : index
    %swap3A_12 = vector.load %arg4[%swap3A, %swap3A_11] : memref<256x4096xf32, #tpu.memory_space<vmem>>, vector<256x4096xf32>
    tpu.vector_store %arg4[%swap3A, %swap3A_11], %add3A {strides = array<i32>} : memref<256x4096xf32, #tpu.memory_space<vmem>>, vector<256x4096xf32>,
    return
  }
  func.func @transform_0(%arg0: i32, %arg1: memref<2xi32, #tpu.memory_space<smem>>) -> (i32, i32) {
    %c0_i32 = arith.constant 0 : i32
    %c0_i32_0 = arith.constant 0 : i32
    return %arg0, %c0_i32 : i32, i32
  }
  func.func @transform_1(%arg0: i32, %arg1: memref<2xi32, #tpu.memory_space<smem>>) -> (i32, i32, i32) {
    %get3A = arith.constant 0 : index
    %get3A_0 = memref.load %arg1[%get3A] : memref<2xi32, #tpu.memory_space<smem>>
    %c0_i32 = arith.constant 0 : i32
    %c0_i32_1 = arith.constant 0 : i32
    return %get3A_0, %arg0, %c0_i32 : i32, i32, i32
  }
  func.func @transform_2(%arg0: i32, %arg1: memref<2xi32, #tpu.memory_space<smem>>) -> (i32, i32) {
    %c0_i32 = arith.constant 0 : i32
    %c0_i32_0 = arith.constant 0 : i32
    return %arg0, %c0_i32 : i32, i32
  }
}

</mosaic_0001>

<sc_bundles>
// kernel: kernel.6.cloned.1.call-start
scs
__scs_entry_jumppad:
0x0: {  	(pc) =	sbr.rel $0x88, $3  }
0x1: {  	(tag) =	ssettag $0x0;
	lr =	simm.s32 $0x1  }
0x2: {  	[smem:$0x3F9D] =	sst lr;
	_ =	strace $0xD0000000  }
0x3: {  	_ = 	snop  }
0x4: {  	_ = 	snop  }
0x5: {  	_ = 	snop  }
0x6: {  	_ = 	snop  }
0x7: {  	_ = 	snop  }
__scs_overlays_trampoline_lowered:
0x8: {  	[smem:$0x3FAC] =	sst s0  }
0x9: {  	[smem:$0x3FAD] =	sst s1  }
0xa: {  	[smem:$0x3FAE] =	sst s2  }
0xb: {  	[smem:$0x3FAF] =	sst s3  }
0xc: {  	[smem:$0x3FB0] =	sst s4  }
0xd: {  	[smem:$0x3FB1] =	sst s5  }
0xe: {  	[smem:$0x3FB2] =	sst s6  }
0xf: {  	[smem:$0x3FB3] =	sst s7  }
0x10: {  	[smem:$0x3FB4] =	sst s8  }
0x11: {  	[smem:$0x3FB5] =	sst s9;
	s0 =	simm.s32 @!p0 $0x0  }
0x12: {  	s1 =	sld [smem:$0x3F9B];
	s0 =	simm.s32 @p0 $0x1  }
0x13: {  	[smem:$0x3FB6] =	sst s0;
	s0 =	simm.s32 @!p1 $0x0  }
0x14: {  	s2 =	sld [smem:$0x3F9A];
	s0 =	simm.s32 @p1 $0x1  }
0x15: {  	[smem:$0x3FB7] =	sst s0;
	s0 =	simm.s32 @!p2 $0x0  }
0x16: {  	s3 =	sld [smem:$0x3FDB];
	s0 =	simm.s32 @p2 $0x1  }
0x17: {  	s4 =	simm.s32 $0x1BF5;
	[smem:$0x3FB9] =	sst s0  }
0x18: {  	s0 =	sld [smem:$0x3F9C];
	_ =	swait.ge [sflag:s4], $0x0  }
0x19: {  	s7 =	sld [smem:$0x3F9D]  }
0x1a: {  	s8 =	sadd.s32 $0xFFFFE003, lr  }
0x1b: {  	s9 =	sadd.s32 $0xFFFFFEF7, lr;
	s5 =	simm.s32 $0xFFFFFFFF;
	p2 =	slt.u32 s8, $0xFFFFF086  }
0x1c: {  	p1 =	slt.u32 s9, $0xF7A;
	s5 =	simm.s32 @!p2 $0x0  }
0x1d: {  	s5 =	simm.s32 @p1 $0x1;
	p0 =	seq.s32 s7, s2  }
0x1e: {  	s7 =	smul.u32 @!p0 $0xF7A, s2;
	p2 =	seq.s32 @!p0 s5, $0x0  }
0x1f: {  	s9 =	smul.u32 $0xF7A, s1;
	s8 =	simm.s32 @!p0 $0x1BF5;
	p2 =	por !p2, p0  }
0x20: {  	[sflag:s8] =	ssyncset.s32 @!p0 $0xFFFFF086;
	s6 =	sadd.s32 @!p0 s3, s7;
	s7 =	simm.s32 @!p0 $0x108  }
0x21: {  	s3 =	sadd.s32 s3, s9;
	s6 =	sadd.s32 @!p0 $0x88, s6;
	s7 =	simm.s32 @p2 $0x1082  }
0x22: {  	[simem:s7], [sflag:s8] =	dma.local @!p0 [hbm:s6], $0xF7A  }
0x23: {  	s9 =	sor.u32 $0xD0000000, s2;
	s6 =	simm.s32 $0x108;
	_ =	swait.ge @!p0 [sflag:s8], $0x0  }
0x24: {  	s3 =	sadd.s32 $0x88, s3;
	s6 =	simm.s32 @!p1 $0x1082;
	[sflag:s4] =	ssyncset.s32 $0xFFFFF086  }
0x25: {  	[simem:s6], [sflag:s4] =	dma.local [hbm:s3], $0xF7A  }
0x26: {  	[smem:$0x3F9D] =	sst s1;
	(tag) =	ssettag s2;
	_ =	strace s9  }
0x27: {  	s1 =	sld [smem:$0x3FAD]  }
0x28: {  	s2 =	sld [smem:$0x3FAE]  }
0x29: {  	s4 =	sld [smem:$0x3FB0]  }
0x2a: {  	p0 =	seq.s32 s5, $0x0;
	s5 =	sld [smem:$0x3FB1]  }
0x2b: {  	s6 =	sld [smem:$0x3FB2]  }
0x2c: {  	s7 =	sld [smem:$0x3FB3]  }
0x2d: {  	s3 =	simm.s32 $0x108;
	s8 =	sld [smem:$0x3FB4]  }
0x2e: {  	s3 =	simm.s32 @!p0 $0x1082;
	s9 =	sld [smem:$0x3FB5]  }
0x2f: {  	lr =	sadd.s32 s0, s3;
	s0 =	sld [smem:$0x3FAC]  }
0x30: {  	s3 =	sld [smem:$0x3FAF]  }
0x31: {  	[smem:$0x3FB8] =	sst s10  }
0x32: {  	s10 =	sld [smem:$0x3FB6];
	_ =	sdelay $0x3  }
0x33: {  	p0 =	seq.s32 s10, $0x1;
	s10 =	sld [smem:$0x3FB8];
	_ =	sdelay $0x3  }
0x34: {  	[smem:$0x3FB8] =	sst s10  }
0x35: {  	s10 =	sld [smem:$0x3FB7];
	_ =	sdelay $0x3  }
0x36: {  	p1 =	seq.s32 s10, $0x1;
	s10 =	sld [smem:$0x3FB8];
	_ =	sdelay $0x3  }
0x37: {  	[smem:$0x3FB8] =	sst s10  }
0x38: {  	s10 =	sld [smem:$0x3FB9]  }
0x39: {  	_ = 	snop;
	(pc) =	sbr.ind lr, $3  }
0x3a: {  	_ = 	snop  }
0x3b: {  	_ = 	snop  }
0x3c: {  	p2 =	seq.s32 s10, $0x1;
	s10 =	sld [smem:$0x3FB8]  }
0x3d: {  	_ =	shalt  }
0x3e: {  	_ =	shalt  }
0x3f: {  	_ =	shalt  }
0x40: {  	_ =	shalt  }
0x41: {  	_ =	shalt  }
0x42: {  	_ =	shalt  }
0x43: {  	_ =	shalt  }
0x44: {  	_ =	shalt  }
0x45: {  	_ =	shalt  }
0x46: {  	_ =	shalt  }
0x47: {  	_ =	shalt  }
0x48: {  	_ =	shalt  }
0x49: {  	_ =	shalt  }
0x4a: {  	_ =	shalt  }
0x4b: {  	_ =	shalt  }
0x4c: {  	_ =	shalt  }
0x4d: {  	_ =	shalt  }
0x4e: {  	_ =	shalt  }
0x4f: {  	_ =	shalt  }
0x50: {  	_ =	shalt  }
0x51: {  	_ =	shalt  }
0x52: {  	_ =	shalt  }
0x53: {  	_ =	shalt  }
0x54: {  	_ =	shalt  }
0x55: {  	_ =	shalt  }
0x56: {  	_ =	shalt  }
0x57: {  	_ =	shalt  }
0x58: {  	_ =	shalt  }
0x59: {  	_ =	shalt  }
0x5a: {  	_ =	shalt  }
0x5b: {  	_ =	shalt  }
0x5c: {  	_ =	shalt  }
0x5d: {  	_ =	shalt  }
0x5e: {  	_ =	shalt  }
0x5f: {  	_ =	shalt  }
0x60: {  	_ =	shalt  }
0x61: {  	_ =	shalt  }
0x62: {  	_ =	shalt  }
0x63: {  	_ =	shalt  }
0x64: {  	_ =	shalt  }
0x65: {  	_ =	shalt  }
0x66: {  	_ =	shalt  }
0x67: {  	_ =	shalt  }
0x68: {  	_ =	shalt  }
0x69: {  	_ =	shalt  }
0x6a: {  	_ =	shalt  }
0x6b: {  	_ =	shalt  }
0x6c: {  	_ =	shalt  }
0x6d: {  	_ =	shalt  }
0x6e: {  	_ =	shalt  }
0x6f: {  	_ =	shalt  }
0x70: {  	_ =	shalt  }
0x71: {  	_ =	shalt  }
0x72: {  	_ =	shalt  }
0x73: {  	_ =	shalt  }
0x74: {  	_ =	shalt  }
0x75: {  	_ =	shalt  }
0x76: {  	_ =	shalt  }
0x77: {  	_ =	shalt  }
0x78: {  	_ =	shalt  }
0x79: {  	_ =	shalt  }
0x7a: {  	_ =	shalt  }
0x7b: {  	_ =	shalt  }
0x7c: {  	_ =	shalt  }
0x7d: {  	_ =	shalt  }
0x7e: {  	_ =	shalt  }
0x7f: {  	_ =	shalt  }
0x80: {  	_ =	shalt  }
0x81: {  	_ =	shalt  }
0x82: {  	_ =	shalt  }
0x83: {  	_ =	shalt  }
0x84: {  	_ =	shalt  }
0x85: {  	_ =	shalt  }
0x86: {  	_ =	shalt  }
0x87: {  	_ =	shalt  }
.Lfunc_end0:
.L_simem_size_0:
called_computation_lowered:
.L_overlay_start_0:
0x88: {  	s2 =	sld [smem:$0x3FD9]  }
0x89: {  	s3 =	sld [smem:$0x3FFE];
	_ =	sdelay $0x1  }
0x8a: {  	s1 =	srdreg.scid  }
0x8b: {  	s0 =	sand.u32 $0x1, s1  }
0x8c: {  	s17 =	sshll.u32 s0, $0xA;
	s2 =	sadd.s32 s3, s2  }
0x8d: {  	s2 =	sadd.s32 s2, s17  }
0x8e: {  	[smem:$0x3FC4] =	sst s2  }
0x8f: {  	_ = 	snop  }
0x90: {  	s2 =	sld [smem:$0x3FC7]  }
0x91: {  	s18 =	sld [smem:$0x3FD0];
	(tm) =	ssettm $0x1  }
0x92: {  	s4 =	sld [smem:$0x3FFB];
	_ =	sdelay $0x3  }
0x93: {  	_ =	strace s4  }
0x94: {  	s4 =	sld [smem:$0x3FFC];
	_ =	sdelay $0x3  }
0x95: {  	_ =	strace s4  }
0x96: {  	s4 =	sld [smem:$0x3FFD];
	_ =	sdelay $0x3  }
0x97: {  	_ =	strace s4  }
0x98: {  	_ =	strace $0x8FFFFFFF  }
0x99: {  	s19 =	sld [smem:$0x3FDB];
	_ =	sdelay $0x1  }
0x9a: {  	s5 =	simm.s32 $_scs_section_size  }
0x9b: {  	s6 =	simm.s32 $_size__tile_overlayer_lowered;
	s7 =	simm.s32 $_tile_overlayer_lowered  }
0x9c: {  	s22 =	simm.s32 $0x1BFF;
	s21 =	sshll.u32 s7, $0x1;
	s4 =	sadd.s32 s5, s19  }
0x9d: {  	s8 =	simm.s32 $0x0;
	s20 =	sshll.u32 s6, $0x1;
	s6 =	sadd.s32 s21, s4  }
0x9e: {  	[timem:s8], [sflag:s22] =	dma.local [hbm:s6], s20  }
0x9f: {  	_ =	swait.ge [sflag:s22], s20  }
0xa0: {  	s5 =	ssub.s32 $0x0, s20;
	[sflag:s22] =	ssyncset.done $0x0  }
0xa1: {  	[sflag:s22] =	ssyncadd.s32 s5;
	_ =	sdelay $0x1  }
0xa2: {  	s23 =	simm.s32 $0x1B8B  }
0xa3: {  	_ =	swait.ge [sflag:s23], $0x1  }
0xa4: {  	[sflag:s23] =	ssyncset.done $0x0  }
0xa5: {  	s25 =	simm.s32 $0x1B8E;
	s24 =	sld [smem:$0x3FFE];
	[sflag:s23] =	ssyncadd.s32 $0xFFFFFFFF  }
0xa6: {  	s26 =	simm.s32 $execute0_lowered;
	[smem:$0x3FD2] =	sst s25  }
0xa7: {  	s6 =	sshll.u32 s26, $0x1;
	_ =	strace $0x80000046;
	[dreg:$0x1] =	wrdreg $0xFFFFFFFF  }
0xa8: {  	s28 =	simm.s32 $_size_execute0_lowered;
	s4 =	sadd.s32 s4, s6;
	[dreg:$0x0] =	wrdreg $0x0  }
0xa9: {  	s6 =	sshll.u32 s28, $0x1;
	[dreg:$0x2] =	wrdreg s4  }
0xaa: {  	[dreg:$0x3] =	wrdreg s6  }
0xab: {  	[dreg:$0x4] =	wrdreg $0xC0  }
0xac: {  	_ =	task [dreg:s8], $0x5FFFF  }
0xad: {  	[dreg:$0x1] =	wrdreg $0xFFFFFFFF  }
0xae: {  	[dreg:$0x0] =	wrdreg $0x60  }
0xaf: {  	[dreg:$0x2] =	wrdreg s2  }
0xb0: {  	[dreg:$0x3] =	wrdreg s24  }
0xb1: {  	[dreg:$0x4] =	wrdreg s18  }
0xb2: {  	[dreg:$0x5] =	wrdreg $0x9  }
0xb3: {  	_ =	task.clear_ibuf [dreg:s8], $0x6FFFF;
	_ =	strace $0x90000046  }
0xb4: {  	s29 =	simm.s32 $0x9;
	_ =	strace $0x80000048  }
0xb5: {  	_ =	swait.ge [sflag:s29], $0x1  }
0xb6: {  	[sflag:s29] =	ssyncadd.s32 $0xFFFFFFFF  }
0xb7: {  	_ =	strace $0x90000048  }
0xb8: {  	_ =	sfence  }
0xb9: {  	s30 =	sld [smem:$0x0];
	_ =	sdelay $0x2  }
0xba: {  	s31 =	sshll.u32 s1, $0xD;
	s1 =	sshrl.u32 s1, $0x2  }
0xbb: {  	s3 =	sand.u32 $0x4000, s31;
	s1 =	sadd.s32 s1, s30  }
0xbc: {  	s0 =	sor.u32 s3, s0;
	s1 =	sshll.u32 s1, $0x11  }
0xbd: {  	s0 =	sor.u32 s1, s0  }
0xbe: {  	s0 =	sadd.s32 $0x8F2B, s0  }
0xbf: {  	[sflag:s0] =	ssyncadd.remote.s32 $0x1  }
0xc0: {  	_ =	sfence.sel $0xFFFF  }
0xc1: {  	[dreg:$0x0] =	wrdreg $0xFFFFFFFF;
	(pc) =	sbr.abs _section_cstart, $3  }
0xc2: {  	[dreg:$0x1] =	wrdreg $0xFFFFFFFF  }
0xc3: {  	_ =	task.clear_ibuf [dreg:s8], $0x2FFFF;
	_ =	strace $0x9FFFFFFF  }
0xc4: {  	(tm) =	ssettm $0x7FFFFFFF  }
0xc5: {  	_ =	shalt  }
tec
execute0_lowered:
.L_overlay_start_1:
0x0: {  	(tag) =	ssettag $0x1  }
0x1: {  	s1 =	rddreg [dreg:$0x0]  }
0x2: {  	s6 =	rddreg [dreg:$0x1]  }
0x3: {  	s10 =	rddreg [dreg:$0x2]  }
0x4: {  	s0 =	rddreg [dreg:$0x3];
	s3 =	simm.s32 $0x0;
	s4 =	srdreg.scid  }
0x5: {  	s2 =	stileid.u32;
	s13 =	simm.s32 $0x3;
	s14 =	simm.s32 $0x18080  }
0x6: {  	s15 =	simm.s32 $0x8000;
	s16 =	simm.s32 $0x1;
	s17 =	simm.s32 $0x10000  }
0x7: {  	s18 =	simm.s32 $0x2;
	s19 =	simm.s32 $0x80;
	s20 =	simm.s32 $0x400  }
0x8: {  	[smem:$0x7FF] =	sst s3;
	s4 =	sand.u32 $0x1, s4;
	s5 =	sshll.u32 s2, $0x1  }
0x9: {  	s9 =	sshll.u32 s2, $0x10;
	_ =	strace $0x80000047;
	s7 =	sor.u32 s4, s5  }
0xa: {  	s8 =	ssub.s32 $0x2, s4;
	s5 =	sadd.s32 $0x200, s6;
	s4 =	sshll.u32 s7, $0x7  }
0xb: {  	s6 =	sadd.s32 $0x400, s6;
	s11 =	sshrl.u32 s8, $0x1;
	s9 =	sor.u32 s9, s4  }
0xc: {  	s7 =	sshll.u32 s7, $0x13;
	s11 =	ssub.s32 s8, s11;
	s9 =	sand.u32 $0xC0380, s9  }
0xd: {  	s8 =	sor.u32 $0x10, s4;
	s11 =	smax.u32 s11, $0x1;
	s12 =	sshrl.u32 s9, $0x3  }
0xe: {  	v0 =	vimm.s32 $0x0;
	v1 =	vimm.s32 $0x1;
	s9 =	sor.u32 $0x78000, s7;
	s10 =	sadd.s32 s10, s12;
	s12 =	simm.s32 $0x18000  }
.LBB2_1:
0xf: {  	s21 =	simm.s32 $0x10020  }
0x10: {  	[tilespmem:s21+$0xFFFFFFE0] =	vst v0  }
0x11: {  	[tilespmem:s21+$0x10] =	vst v0  }
0x12: {  	s22 =	simm.s32 $0x0;
	[tilespmem:s21+$0x0] =	vst v0  }
.LBB2_2:
0x13: {  	s22 =	sadd.s32 $0x4, s22  }
0x14: {  	[tilespmem:s21+$0xFFFFFFF0] =	vst v0;
	s21 =	sadd.s32 $0x40, s21;
	p0 =	slt.u32 s22, $0x7FC  }
.Ltmp0:
0x15: {  	[tilespmem:s21+$0xFFFFFFE0] =	vst v0;
	(pc) =	sbr.rel @p0 .LBB2_2-.Ltmp0, $3  }
0x16: {  	_ =	sdelay $0x1  }
0x17: {  	[tilespmem:s21+$0x10] =	vst v0  }
0x18: {  	[tilespmem:s21+$0x0] =	vst v0  }
0x19: {  	[tilespmem:s21+$0xFFFFFFF0] =	vst v0;
	s21 =	simm.s32 $0x0  }
0x1a: {  	[tilespmem:s12], [sflag:$0x3] =	stream.linear.gather [hbm4b:s5+s21], $0x80, $0x38;
	[tilespmem:$0x18100] =	vst v63  }
0x1b: {  	_ =	swait.ge [sflag:s13], $0x80  }
0x1c: {  	[sflag:s13] =	ssyncset.done $0x0  }
0x1d: {  	[sflag:s13] =	ssyncadd.s32 $0xFFFFFF80  }
0x1e: {  	v2 =	vld [tilespmem:$0x18000];
	_ =	sdelay $0x4  }
0x1f: {  	v2 =	vxor.u32 $0x80000000, v2  }
0x20: {  	(xrf0) =	vmax.scan.msk.u32 $0xffff, v2;
	_ =	sdelay $0x5  }
0x21: {  	v2, _, _ =	vpop (xrf0)  }
0x22: {  	(v2sf) =	vpush v2, $0xF;
	_ =	sdelay $0xd  }
0x23: {  	[tilespmem:s14], [sflag:$0x3] =	stream.linear.gather [hbm4b:s6+s21], $0x80, $0x38;
	[tilespmem:$0x18100] =	vst v63  }
0x24: {  	s22 =	spop (v2sf)  }
0x25: {  	s22 =	sshll.u32 s22, $0x18  }
0x26: {  	_ =	swait.ge [sflag:s13], $0x80;
	s23 =	sor.u32 s7, s22  }
0x27: {  	[sflag:s13] =	ssyncset.done $0x0;
	s23 =	sshrl.u32 s23, $0x3  }
0x28: {  	[sflag:s13] =	ssyncadd.s32 $0xFFFFFF80;
	s23 =	sadd.s32 s1, s23  }
0x29: {  	[tilespmem:s21], [sflag:$0x1] =	stream.linear.gather [hbm4b:s23+s21], $0x8000, $0x38;
	[tilespmem:$0x18100] =	vst v63  }
0x2a: {  	s23 =	simm.s32 $0x0  }
.LBB2_4:
0x2b: {  	s24 =	sshll.u32 s23, $0x4  }
0x2c: {  	s25 =	sadd.s32 s24, s4  }
0x2d: {  	s25 =	sshll.u32 s25, $0xC  }
0x2e: {  	s25 =	sadd.s32 s22, s25  }
0x2f: {  	s25 =	sadd.s32 $0x8000, s25  }
0x30: {  	s25 =	sshrl.u32 s25, $0x3  }
0x31: {  	s25 =	sadd.s32 s1, s25  }
0x32: {  	[tilespmem:s15], [sflag:$0x2] =	stream.linear.gather [hbm4b:s25+s21], $0x8000, $0x38;
	[tilespmem:$0x18100] =	vst v63  }
0x33: {  	_ =	swait.ge [sflag:s16], $0x8000  }
0x34: {  	s31 =	sand.u32 $0x7800, s21;
	s26 =	sand.u32 $0x380, s21;
	[sflag:s16] =	ssyncset.done $0x0  }
0x35: {  	s25 =	sor.u32 s26, s31;
	[sflag:s16] =	ssyncadd.s32 $0xFFFF8000  }
0x36: {  	v2 =	vld [tilespmem:s25+$0x470]  }
0x37: {  	v3 =	vld [tilespmem:s25+$0x0]  }
0x38: {  	v4 =	vld [tilespmem:s25+$0x10]  }
0x39: {  	v5 =	vld [tilespmem:s25+$0x20]  }
0x3a: {  	v6 =	vld [tilespmem:s25+$0x30]  }
0x3b: {  	v7 =	vld [tilespmem:s25+$0x40]  }
0x3c: {  	v8 =	vld [tilespmem:s25+$0x50]  }
0x3d: {  	v9 =	vld [tilespmem:s25+$0x60]  }
0x3e: {  	v10 =	vld [tilespmem:s25+$0x70]  }
0x3f: {  	v11 =	vld [tilespmem:s25+$0x400]  }
0x40: {  	v12 =	vld [tilespmem:s25+$0x420];
	v2 =	vshra.s32 v2, $0xF  }
0x41: {  	v13 =	vld [tilespmem:s25+$0x430]  }
0x42: {  	v14 =	vld [tilespmem:s25+$0x440];
	v3 =	vshra.s32 v3, $0xF  }
0x43: {  	v15 =	vld [tilespmem:s25+$0x450];
	v4 =	vshra.s32 v4, $0xF  }
0x44: {  	v16 =	vld [tilespmem:s25+$0x460];
	v5 =	vshra.s32 v5, $0xF  }
0x45: {  	v6 =	vshra.s32 v6, $0xF;
	[tilespmem:v2+s17+$0x0] =	vst.idx.add.s32.msk $0xffff, v1  }
0x46: {  	v7 =	vshra.s32 v7, $0xF;
	v2 =	vld [tilespmem:s25+$0x410]  }
0x47: {  	v8 =	vshra.s32 v8, $0xF;
	[tilespmem:v3+s17+$0x0] =	vst.idx.add.s32.msk $0xffff, v1  }
0x48: {  	v61 =	vshra.s32 v12, $0xF;
	[tilespmem:v4+s17+$0x0] =	vst.idx.add.s32.msk $0xffff, v1  }
0x49: {  	v62 =	vshra.s32 v13, $0xF;
	[tilespmem:v5+s17+$0x0] =	vst.idx.add.s32.msk $0xffff, v1  }
0x4a: {  	v3 =	vshra.s32 v9, $0xF;
	[tilespmem:v6+s17+$0x0] =	vst.idx.add.s32.msk $0xffff, v1  }
0x4b: {  	[tilespmem:v7+s17+$0x0] =	vst.idx.add.s32.msk $0xffff, v1;
	v2 =	vshra.s32 v2, $0xF  }
0x4c: {  	v63 =	vshra.s32 v14, $0xF;
	[tilespmem:v8+s17+$0x0] =	vst.idx.add.s32.msk $0xffff, v1  }
0x4d: {  	v4 =	vshra.s32 v10, $0xF;
	[tilespmem:v61+s17+$0x0] =	vst.idx.add.s32.msk $0xffff, v1  }
0x4e: {  	v5 =	vshra.s32 v11, $0xF;
	[tilespmem:v62+s17+$0x0] =	vst.idx.add.s32.msk $0xffff, v1  }
0x4f: {  	[tilespmem:v3+s17+$0x0] =	vst.idx.add.s32.msk $0xffff, v1;
	v3 =	vshra.s32 v15, $0xF  }
0x50: {  	[tilespmem:v2+s17+$0x0] =	vst.idx.add.s32.msk $0xffff, v1;
	v2 =	vshra.s32 v16, $0xF  }
0x51: {  	[tilespmem:v63+s17+$0x0] =	vst.idx.add.s32.msk $0xffff, v1  }
0x52: {  	[tilespmem:v4+s17+$0x0] =	vst.idx.add.s32.msk $0xffff, v1  }
0x53: {  	s28 =	simm.s32 $0x8;
	s26 =	simm.s32 $0x800;
	s25 =	simm.s32 $0x0;
	[tilespmem:v5+s17+$0x0] =	vst.idx.add.s32.msk $0xffff, v1  }
.LBB2_5:
0x54: {  	s29 =	sand.u32 $0x7800, s26;
	s30 =	sand.u32 $0x380, s28;
	s25 =	sadd.s32 $0x10, s25;
	[tilespmem:v3+s17+$0x0] =	vst.idx.add.s32.msk $0xffff, v1  }
0x55: {  	s29 =	sor.u32 s30, s29;
	p0 =	slt.u32 s25, $0x7F0;
	[tilespmem:v2+s17+$0x0] =	vst.idx.add.s32.msk $0xffff, v1  }
0x56: {  	v2 =	vld [tilespmem:s29+$0x470]  }
0x57: {  	v3 =	vld [tilespmem:s29+$0x0]  }
0x58: {  	v4 =	vld [tilespmem:s29+$0x10]  }
0x59: {  	v5 =	vld [tilespmem:s29+$0x20]  }
0x5a: {  	v6 =	vld [tilespmem:s29+$0x30]  }
0x5b: {  	v7 =	vld [tilespmem:s29+$0x40];
	v2 =	vshra.s32 v2, $0xF  }
0x5c: {  	v3 =	vshra.s32 v3, $0xF;
	v8 =	vld [tilespmem:s29+$0x50]  }
0x5d: {  	v4 =	vshra.s32 v4, $0xF;
	v9 =	vld [tilespmem:s29+$0x60]  }
0x5e: {  	v5 =	vshra.s32 v5, $0xF;
	v10 =	vld [tilespmem:s29+$0x70]  }
0x5f: {  	v6 =	vshra.s32 v6, $0xF;
	v11 =	vld [tilespmem:s29+$0x400]  }
0x60: {  	v7 =	vshra.s32 v7, $0xF;
	[tilespmem:v2+s17+$0x0] =	vst.idx.add.s32.msk $0xffff, v1  }
0x61: {  	v8 =	vshra.s32 v8, $0xF;
	v2 =	vld [tilespmem:s29+$0x410]  }
0x62: {  	v9 =	vshra.s32 v9, $0xF;
	v12 =	vld [tilespmem:s29+$0x420]  }
0x63: {  	v10 =	vshra.s32 v10, $0xF;
	v13 =	vld [tilespmem:s29+$0x430]  }
0x64: {  	v11 =	vshra.s32 v11, $0xF;
	v14 =	vld [tilespmem:s29+$0x440]  }
0x65: {  	v15 =	vld [tilespmem:s29+$0x450]  }
0x66: {  	v16 =	vshra.s32 v2, $0xF;
	v2 =	vld [tilespmem:s29+$0x460]  }
0x67: {  	[tilespmem:v3+s17+$0x0] =	vst.idx.add.s32.msk $0xffff, v1;
	v12 =	vshra.s32 v12, $0xF  }
0x68: {  	[tilespmem:v4+s17+$0x0] =	vst.idx.add.s32.msk $0xffff, v1;
	v4 =	vshra.s32 v13, $0xF  }
0x69: {  	[tilespmem:v5+s17+$0x0] =	vst.idx.add.s32.msk $0xffff, v1;
	v5 =	vshra.s32 v14, $0xF  }
0x6a: {  	[tilespmem:v6+s17+$0x0] =	vst.idx.add.s32.msk $0xffff, v1;
	v3 =	vshra.s32 v15, $0xF  }
0x6b: {  	[tilespmem:v7+s17+$0x0] =	vst.idx.add.s32.msk $0xffff, v1;
	v2 =	vshra.s32 v2, $0xF  }
0x6c: {  	[tilespmem:v8+s17+$0x0] =	vst.idx.add.s32.msk $0xffff, v1  }
0x6d: {  	[tilespmem:v9+s17+$0x0] =	vst.idx.add.s32.msk $0xffff, v1  }
0x6e: {  	[tilespmem:v10+s17+$0x0] =	vst.idx.add.s32.msk $0xffff, v1  }
.Ltmp1:
0x6f: {  	[tilespmem:v11+s17+$0x0] =	vst.idx.add.s32.msk $0xffff, v1;
	(pc) =	sbr.rel @p0 .LBB2_5-.Ltmp1, $4  }
0x70: {  	[tilespmem:v16+s17+$0x0] =	vst.idx.add.s32.msk $0xffff, v1  }
0x71: {  	[tilespmem:v12+s17+$0x0] =	vst.idx.add.s32.msk $0xffff, v1  }
0x72: {  	[tilespmem:v4+s17+$0x0] =	vst.idx.add.s32.msk $0xffff, v1  }
0x73: {  	s26 =	sadd.s32 $0x800, s26;
	s28 =	sadd.s32 $0x8, s28;
	[tilespmem:v5+s17+$0x0] =	vst.idx.add.s32.msk $0xffff, v1  }
0x74: {  	_ = 	snop  }
0x75: {  	s24 =	sadd.s32 s24, s8  }
0x76: {  	s24 =	sshll.u32 s24, $0xC  }
0x77: {  	s24 =	sadd.s32 s22, s24  }
0x78: {  	[tilespmem:v3+s17+$0x0] =	vst.idx.add.s32.msk $0xffff, v1;
	s24 =	sshrl.u32 s24, $0x3  }
0x79: {  	[tilespmem:v2+s17+$0x0] =	vst.idx.add.s32.msk $0xffff, v1;
	s25 =	simm.s32 $0x0;
	s24 =	sadd.s32 s1, s24  }
0x7a: {  	[tilespmem:s25], [sflag:$0x1] =	stream.linear.gather [hbm4b:s24+s25], $0x8000, $0x38;
	[tilespmem:$0x18100] =	vst v63  }
0x7b: {  	_ =	swait.ge [sflag:s18], $0x8000  }
0x7c: {  	s31 =	sand.u32 $0x7800, s25;
	s25 =	sand.u32 $0x380, s25;
	[sflag:s18] =	ssyncset.done $0x0  }
0x7d: {  	s24 =	sor.u32 s25, s31;
	[sflag:s18] =	ssyncadd.s32 $0xFFFF8000  }
0x7e: {  	v2 =	vld [tilespmem:s24+$0x8470]  }
0x7f: {  	v3 =	vld [tilespmem:s24+$0x8000]  }
0x80: {  	v4 =	vld [tilespmem:s24+$0x8010]  }
0x81: {  	v5 =	vld [tilespmem:s24+$0x8020]  }
0x82: {  	v6 =	vld [tilespmem:s24+$0x8030]  }
0x83: {  	v7 =	vld [tilespmem:s24+$0x8040]  }
0x84: {  	v8 =	vld [tilespmem:s24+$0x8050]  }
0x85: {  	v9 =	vld [tilespmem:s24+$0x8060]  }
0x86: {  	v10 =	vld [tilespmem:s24+$0x8070]  }
0x87: {  	v11 =	vld [tilespmem:s24+$0x8400]  }
0x88: {  	v12 =	vld [tilespmem:s24+$0x8420];
	v2 =	vshra.s32 v2, $0xF  }
0x89: {  	v13 =	vld [tilespmem:s24+$0x8430]  }
0x8a: {  	v14 =	vld [tilespmem:s24+$0x8440];
	v3 =	vshra.s32 v3, $0xF  }
0x8b: {  	v15 =	vld [tilespmem:s24+$0x8450];
	v4 =	vshra.s32 v4, $0xF  }
0x8c: {  	v16 =	vld [tilespmem:s24+$0x8460];
	v5 =	vshra.s32 v5, $0xF  }
0x8d: {  	v6 =	vshra.s32 v6, $0xF;
	[tilespmem:v2+s17+$0x0] =	vst.idx.add.s32.msk $0xffff, v1  }
0x8e: {  	v7 =	vshra.s32 v7, $0xF;
	v2 =	vld [tilespmem:s24+$0x8410]  }
0x8f: {  	v8 =	vshra.s32 v8, $0xF;
	[tilespmem:v3+s17+$0x0] =	vst.idx.add.s32.msk $0xffff, v1  }
0x90: {  	v61 =	vshra.s32 v12, $0xF;
	[tilespmem:v4+s17+$0x0] =	vst.idx.add.s32.msk $0xffff, v1  }
0x91: {  	v62 =	vshra.s32 v13, $0xF;
	[tilespmem:v5+s17+$0x0] =	vst.idx.add.s32.msk $0xffff, v1  }
0x92: {  	v3 =	vshra.s32 v9, $0xF;
	[tilespmem:v6+s17+$0x0] =	vst.idx.add.s32.msk $0xffff, v1  }
0x93: {  	[tilespmem:v7+s17+$0x0] =	vst.idx.add.s32.msk $0xffff, v1;
	v2 =	vshra.s32 v2, $0xF  }
0x94: {  	v63 =	vshra.s32 v14, $0xF;
	[tilespmem:v8+s17+$0x0] =	vst.idx.add.s32.msk $0xffff, v1  }
0x95: {  	v4 =	vshra.s32 v10, $0xF;
	[tilespmem:v61+s17+$0x0] =	vst.idx.add.s32.msk $0xffff, v1  }
0x96: {  	v5 =	vshra.s32 v11, $0xF;
	[tilespmem:v62+s17+$0x0] =	vst.idx.add.s32.msk $0xffff, v1  }
0x97: {  	[tilespmem:v3+s17+$0x0] =	vst.idx.add.s32.msk $0xffff, v1;
	v3 =	vshra.s32 v15, $0xF  }
0x98: {  	[tilespmem:v2+s17+$0x0] =	vst.idx.add.s32.msk $0xffff, v1;
	v2 =	vshra.s32 v16, $0xF  }
0x99: {  	[tilespmem:v63+s17+$0x0] =	vst.idx.add.s32.msk $0xffff, v1  }
0x9a: {  	[tilespmem:v4+s17+$0x0] =	vst.idx.add.s32.msk $0xffff, v1  }
0x9b: {  	s26 =	simm.s32 $0x8;
	s25 =	simm.s32 $0x800;
	s24 =	simm.s32 $0x0;
	[tilespmem:v5+s17+$0x0] =	vst.idx.add.s32.msk $0xffff, v1  }
.LBB2_7:
0x9c: {  	s28 =	sand.u32 $0x7800, s25;
	s29 =	sand.u32 $0x380, s26;
	s24 =	sadd.s32 $0x10, s24;
	[tilespmem:v3+s17+$0x0] =	vst.idx.add.s32.msk $0xffff, v1  }
0x9d: {  	s28 =	sor.u32 s29, s28;
	p0 =	slt.u32 s24, $0x7F0;
	[tilespmem:v2+s17+$0x0] =	vst.idx.add.s32.msk $0xffff, v1  }
0x9e: {  	v2 =	vld [tilespmem:s28+$0x8470]  }
0x9f: {  	v3 =	vld [tilespmem:s28+$0x8000]  }
0xa0: {  	v4 =	vld [tilespmem:s28+$0x8010]  }
0xa1: {  	v5 =	vld [tilespmem:s28+$0x8020]  }
0xa2: {  	v6 =	vld [tilespmem:s28+$0x8030]  }
0xa3: {  	v7 =	vld [tilespmem:s28+$0x8040];
	v2 =	vshra.s32 v2, $0xF  }
0xa4: {  	v3 =	vshra.s32 v3, $0xF;
	v8 =	vld [tilespmem:s28+$0x8050]  }
0xa5: {  	v4 =	vshra.s32 v4, $0xF;
	v9 =	vld [tilespmem:s28+$0x8060]  }
0xa6: {  	v5 =	vshra.s32 v5, $0xF;
	v10 =	vld [tilespmem:s28+$0x8070]  }
0xa7: {  	v6 =	vshra.s32 v6, $0xF;
	v11 =	vld [tilespmem:s28+$0x8400]  }
0xa8: {  	v7 =	vshra.s32 v7, $0xF;
	[tilespmem:v2+s17+$0x0] =	vst.idx.add.s32.msk $0xffff, v1  }
0xa9: {  	v8 =	vshra.s32 v8, $0xF;
	v2 =	vld [tilespmem:s28+$0x8410]  }
0xaa: {  	v9 =	vshra.s32 v9, $0xF;
	v12 =	vld [tilespmem:s28+$0x8420]  }
0xab: {  	v10 =	vshra.s32 v10, $0xF;
	v13 =	vld [tilespmem:s28+$0x8430]  }
0xac: {  	v11 =	vshra.s32 v11, $0xF;
	v14 =	vld [tilespmem:s28+$0x8440]  }
0xad: {  	v15 =	vld [tilespmem:s28+$0x8450]  }
0xae: {  	v16 =	vshra.s32 v2, $0xF;
	v2 =	vld [tilespmem:s28+$0x8460]  }
0xaf: {  	[tilespmem:v3+s17+$0x0] =	vst.idx.add.s32.msk $0xffff, v1;
	v12 =	vshra.s32 v12, $0xF  }
0xb0: {  	[tilespmem:v4+s17+$0x0] =	vst.idx.add.s32.msk $0xffff, v1;
	v4 =	vshra.s32 v13, $0xF  }
0xb1: {  	[tilespmem:v5+s17+$0x0] =	vst.idx.add.s32.msk $0xffff, v1;
	v5 =	vshra.s32 v14, $0xF  }
0xb2: {  	[tilespmem:v6+s17+$0x0] =	vst.idx.add.s32.msk $0xffff, v1;
	v3 =	vshra.s32 v15, $0xF  }
0xb3: {  	[tilespmem:v7+s17+$0x0] =	vst.idx.add.s32.msk $0xffff, v1;
	v2 =	vshra.s32 v2, $0xF  }
0xb4: {  	[tilespmem:v8+s17+$0x0] =	vst.idx.add.s32.msk $0xffff, v1  }
0xb5: {  	[tilespmem:v9+s17+$0x0] =	vst.idx.add.s32.msk $0xffff, v1  }
0xb6: {  	[tilespmem:v10+s17+$0x0] =	vst.idx.add.s32.msk $0xffff, v1  }
.Ltmp2:
0xb7: {  	[tilespmem:v11+s17+$0x0] =	vst.idx.add.s32.msk $0xffff, v1;
	(pc) =	sbr.rel @p0 .LBB2_7-.Ltmp2, $4  }
0xb8: {  	[tilespmem:v16+s17+$0x0] =	vst.idx.add.s32.msk $0xffff, v1  }
0xb9: {  	[tilespmem:v12+s17+$0x0] =	vst.idx.add.s32.msk $0xffff, v1  }
0xba: {  	[tilespmem:v4+s17+$0x0] =	vst.idx.add.s32.msk $0xffff, v1  }
0xbb: {  	s25 =	sadd.s32 $0x800, s25;
	s26 =	sadd.s32 $0x8, s26;
	[tilespmem:v5+s17+$0x0] =	vst.idx.add.s32.msk $0xffff, v1  }
0xbc: {  	s23 =	sadd.s32 $0x1, s23  }
0xbd: {  	p0 =	sne.s32 s23, $0x7  }
.Ltmp3:
0xbe: {  	_ = 	snop;
	(pc) =	sbr.rel @p0 .LBB2_4-.Ltmp3, $3  }
0xbf: {  	_ =	sdelay $0x1  }
0xc0: {  	[tilespmem:v3+s17+$0x0] =	vst.idx.add.s32.msk $0xffff, v1  }
0xc1: {  	[tilespmem:v2+s17+$0x0] =	vst.idx.add.s32.msk $0xffff, v1  }
0xc2: {  	s21 =	sor.u32 s9, s22  }
0xc3: {  	s21 =	sshrl.u32 s21, $0x3  }
0xc4: {  	s30 =	simm.s32 $0x0;
	s21 =	sadd.s32 s1, s21  }
0xc5: {  	[tilespmem:s15], [sflag:$0x2] =	stream.linear.gather [hbm4b:s21+s30], $0x8000, $0x38;
	[tilespmem:$0x18100] =	vst v63  }
0xc6: {  	_ =	swait.ge [sflag:s16], $0x8000  }
0xc7: {  	s31 =	sand.u32 $0x7800, s30;
	s22 =	sand.u32 $0x380, s30;
	[sflag:s16] =	ssyncset.done $0x0  }
0xc8: {  	s21 =	sor.u32 s22, s31;
	[sflag:s16] =	ssyncadd.s32 $0xFFFF8000  }
0xc9: {  	v2 =	vld [tilespmem:s21+$0x470]  }
0xca: {  	v3 =	vld [tilespmem:s21+$0x0]  }
0xcb: {  	v4 =	vld [tilespmem:s21+$0x10]  }
0xcc: {  	v5 =	vld [tilespmem:s21+$0x20]  }
0xcd: {  	v6 =	vld [tilespmem:s21+$0x30]  }
0xce: {  	v7 =	vld [tilespmem:s21+$0x40]  }
0xcf: {  	v8 =	vld [tilespmem:s21+$0x50]  }
0xd0: {  	v9 =	vld [tilespmem:s21+$0x60]  }
0xd1: {  	v10 =	vld [tilespmem:s21+$0x70]  }
0xd2: {  	v11 =	vld [tilespmem:s21+$0x400]  }
0xd3: {  	v12 =	vld [tilespmem:s21+$0x420];
	v2 =	vshra.s32 v2, $0xF  }
0xd4: {  	v13 =	vld [tilespmem:s21+$0x430]  }
0xd5: {  	v14 =	vld [tilespmem:s21+$0x440];
	v3 =	vshra.s32 v3, $0xF  }
0xd6: {  	v15 =	vld [tilespmem:s21+$0x450];
	v4 =	vshra.s32 v4, $0xF  }
0xd7: {  	v16 =	vld [tilespmem:s21+$0x460];
	v5 =	vshra.s32 v5, $0xF  }
0xd8: {  	v6 =	vshra.s32 v6, $0xF;
	[tilespmem:v2+s17+$0x0] =	vst.idx.add.s32.msk $0xffff, v1  }
0xd9: {  	v7 =	vshra.s32 v7, $0xF;
	v2 =	vld [tilespmem:s21+$0x410]  }
0xda: {  	v8 =	vshra.s32 v8, $0xF;
	[tilespmem:v3+s17+$0x0] =	vst.idx.add.s32.msk $0xffff, v1  }
0xdb: {  	v61 =	vshra.s32 v12, $0xF;
	[tilespmem:v4+s17+$0x0] =	vst.idx.add.s32.msk $0xffff, v1  }
0xdc: {  	v62 =	vshra.s32 v13, $0xF;
	[tilespmem:v5+s17+$0x0] =	vst.idx.add.s32.msk $0xffff, v1  }
0xdd: {  	v3 =	vshra.s32 v9, $0xF;
	[tilespmem:v6+s17+$0x0] =	vst.idx.add.s32.msk $0xffff, v1  }
0xde: {  	[tilespmem:v7+s17+$0x0] =	vst.idx.add.s32.msk $0xffff, v1;
	v2 =	vshra.s32 v2, $0xF  }
0xdf: {  	v63 =	vshra.s32 v14, $0xF;
	[tilespmem:v8+s17+$0x0] =	vst.idx.add.s32.msk $0xffff, v1  }
0xe0: {  	v4 =	vshra.s32 v10, $0xF;
	[tilespmem:v61+s17+$0x0] =	vst.idx.add.s32.msk $0xffff, v1  }
0xe1: {  	v5 =	vshra.s32 v11, $0xF;
	[tilespmem:v62+s17+$0x0] =	vst.idx.add.s32.msk $0xffff, v1  }
0xe2: {  	[tilespmem:v3+s17+$0x0] =	vst.idx.add.s32.msk $0xffff, v1;
	v3 =	vshra.s32 v15, $0xF  }
0xe3: {  	[tilespmem:v2+s17+$0x0] =	vst.idx.add.s32.msk $0xffff, v1;
	v2 =	vshra.s32 v16, $0xF  }
0xe4: {  	[tilespmem:v63+s17+$0x0] =	vst.idx.add.s32.msk $0xffff, v1  }
0xe5: {  	[tilespmem:v4+s17+$0x0] =	vst.idx.add.s32.msk $0xffff, v1  }
0xe6: {  	s23 =	simm.s32 $0x8;
	s22 =	simm.s32 $0x800;
	s21 =	simm.s32 $0x0;
	[tilespmem:v5+s17+$0x0] =	vst.idx.add.s32.msk $0xffff, v1  }
.LBB2_10:
0xe7: {  	s24 =	sand.u32 $0x7800, s22;
	s25 =	sand.u32 $0x380, s23;
	s21 =	sadd.s32 $0x10, s21;
	[tilespmem:v3+s17+$0x0] =	vst.idx.add.s32.msk $0xffff, v1  }
0xe8: {  	s24 =	sor.u32 s25, s24;
	p0 =	slt.u32 s21, $0x7F0;
	[tilespmem:v2+s17+$0x0] =	vst.idx.add.s32.msk $0xffff, v1  }
0xe9: {  	v2 =	vld [tilespmem:s24+$0x470]  }
0xea: {  	v3 =	vld [tilespmem:s24+$0x0]  }
0xeb: {  	v4 =	vld [tilespmem:s24+$0x10]  }
0xec: {  	v5 =	vld [tilespmem:s24+$0x20]  }
0xed: {  	v6 =	vld [tilespmem:s24+$0x30]  }
0xee: {  	v7 =	vld [tilespmem:s24+$0x40];
	v2 =	vshra.s32 v2, $0xF  }
0xef: {  	v3 =	vshra.s32 v3, $0xF;
	v8 =	vld [tilespmem:s24+$0x50]  }
0xf0: {  	v4 =	vshra.s32 v4, $0xF;
	v9 =	vld [tilespmem:s24+$0x60]  }
0xf1: {  	v5 =	vshra.s32 v5, $0xF;
	v10 =	vld [tilespmem:s24+$0x70]  }
0xf2: {  	v6 =	vshra.s32 v6, $0xF;
	v11 =	vld [tilespmem:s24+$0x400]  }
0xf3: {  	v7 =	vshra.s32 v7, $0xF;
	[tilespmem:v2+s17+$0x0] =	vst.idx.add.s32.msk $0xffff, v1  }
0xf4: {  	v8 =	vshra.s32 v8, $0xF;
	v2 =	vld [tilespmem:s24+$0x410]  }
0xf5: {  	v9 =	vshra.s32 v9, $0xF;
	v12 =	vld [tilespmem:s24+$0x420]  }
0xf6: {  	v10 =	vshra.s32 v10, $0xF;
	v13 =	vld [tilespmem:s24+$0x430]  }
0xf7: {  	v11 =	vshra.s32 v11, $0xF;
	v14 =	vld [tilespmem:s24+$0x440]  }
0xf8: {  	v15 =	vld [tilespmem:s24+$0x450]  }
0xf9: {  	v16 =	vshra.s32 v2, $0xF;
	v2 =	vld [tilespmem:s24+$0x460]  }
0xfa: {  	[tilespmem:v3+s17+$0x0] =	vst.idx.add.s32.msk $0xffff, v1;
	v12 =	vshra.s32 v12, $0xF  }
0xfb: {  	[tilespmem:v4+s17+$0x0] =	vst.idx.add.s32.msk $0xffff, v1;
	v4 =	vshra.s32 v13, $0xF  }
0xfc: {  	[tilespmem:v5+s17+$0x0] =	vst.idx.add.s32.msk $0xffff, v1;
	v5 =	vshra.s32 v14, $0xF  }
0xfd: {  	[tilespmem:v6+s17+$0x0] =	vst.idx.add.s32.msk $0xffff, v1;
	v3 =	vshra.s32 v15, $0xF  }
0xfe: {  	[tilespmem:v7+s17+$0x0] =	vst.idx.add.s32.msk $0xffff, v1;
	v2 =	vshra.s32 v2, $0xF  }
0xff: {  	[tilespmem:v8+s17+$0x0] =	vst.idx.add.s32.msk $0xffff, v1  }
0x100: {  	[tilespmem:v9+s17+$0x0] =	vst.idx.add.s32.msk $0xffff, v1  }
0x101: {  	[tilespmem:v10+s17+$0x0] =	vst.idx.add.s32.msk $0xffff, v1  }
.Ltmp4:
0x102: {  	[tilespmem:v11+s17+$0x0] =	vst.idx.add.s32.msk $0xffff, v1;
	(pc) =	sbr.rel @p0 .LBB2_10-.Ltmp4, $4  }
0x103: {  	[tilespmem:v16+s17+$0x0] =	vst.idx.add.s32.msk $0xffff, v1  }
0x104: {  	[tilespmem:v12+s17+$0x0] =	vst.idx.add.s32.msk $0xffff, v1  }
0x105: {  	[tilespmem:v4+s17+$0x0] =	vst.idx.add.s32.msk $0xffff, v1  }
0x106: {  	s22 =	sadd.s32 $0x800, s22;
	s23 =	sadd.s32 $0x8, s23;
	[tilespmem:v5+s17+$0x0] =	vst.idx.add.s32.msk $0xffff, v1  }
0x107: {  	_ =	sdelay $0x3  }
0x108: {  	[tilespmem:v3+s17+$0x0] =	vst.idx.add.s32.msk $0xffff, v1  }
0x109: {  	[tilespmem:v2+s17+$0x0] =	vst.idx.add.s32.msk $0xffff, v1  }
0x10a: {  	s21 =	simm.s32 $0x0;
	_ =	swait.ge [sflag:s18], $0x8000  }
0x10b: {  	s22 =	sand.u32 $0x7800, s21;
	s21 =	sand.u32 $0x380, s21;
	[sflag:s18] =	ssyncset.done $0x0  }
0x10c: {  	s21 =	sor.u32 s21, s22;
	[sflag:s18] =	ssyncadd.s32 $0xFFFF8000  }
0x10d: {  	v2 =	vld [tilespmem:s21+$0x8470]  }
0x10e: {  	v3 =	vld [tilespmem:s21+$0x8000]  }
0x10f: {  	v4 =	vld [tilespmem:s21+$0x8010]  }
0x110: {  	v5 =	vld [tilespmem:s21+$0x8020]  }
0x111: {  	v6 =	vld [tilespmem:s21+$0x8030]  }
0x112: {  	v7 =	vld [tilespmem:s21+$0x8040]  }
0x113: {  	v8 =	vld [tilespmem:s21+$0x8050]  }
0x114: {  	v9 =	vld [tilespmem:s21+$0x8060]  }
0x115: {  	v10 =	vld [tilespmem:s21+$0x8070]  }
0x116: {  	v11 =	vld [tilespmem:s21+$0x8400]  }
0x117: {  	v12 =	vld [tilespmem:s21+$0x8420];
	v2 =	vshra.s32 v2, $0xF  }
0x118: {  	v13 =	vld [tilespmem:s21+$0x8430]  }
0x119: {  	v14 =	vld [tilespmem:s21+$0x8440];
	v3 =	vshra.s32 v3, $0xF  }
0x11a: {  	v15 =	vld [tilespmem:s21+$0x8450];
	v4 =	vshra.s32 v4, $0xF  }
0x11b: {  	v16 =	vld [tilespmem:s21+$0x8460];
	v5 =	vshra.s32 v5, $0xF  }
0x11c: {  	v6 =	vshra.s32 v6, $0xF;
	[tilespmem:v2+s17+$0x0] =	vst.idx.add.s32.msk $0xffff, v1  }
0x11d: {  	v7 =	vshra.s32 v7, $0xF;
	v2 =	vld [tilespmem:s21+$0x8410]  }
0x11e: {  	v8 =	vshra.s32 v8, $0xF;
	[tilespmem:v3+s17+$0x0] =	vst.idx.add.s32.msk $0xffff, v1  }
0x11f: {  	v61 =	vshra.s32 v12, $0xF;
	[tilespmem:v4+s17+$0x0] =	vst.idx.add.s32.msk $0xffff, v1  }
0x120: {  	v62 =	vshra.s32 v13, $0xF;
	[tilespmem:v5+s17+$0x0] =	vst.idx.add.s32.msk $0xffff, v1  }
0x121: {  	v3 =	vshra.s32 v9, $0xF;
	[tilespmem:v6+s17+$0x0] =	vst.idx.add.s32.msk $0xffff, v1  }
0x122: {  	[tilespmem:v7+s17+$0x0] =	vst.idx.add.s32.msk $0xffff, v1;
	v2 =	vshra.s32 v2, $0xF  }
0x123: {  	v63 =	vshra.s32 v14, $0xF;
	[tilespmem:v8+s17+$0x0] =	vst.idx.add.s32.msk $0xffff, v1  }
0x124: {  	v4 =	vshra.s32 v10, $0xF;
	[tilespmem:v61+s17+$0x0] =	vst.idx.add.s32.msk $0xffff, v1  }
0x125: {  	v5 =	vshra.s32 v11, $0xF;
	[tilespmem:v62+s17+$0x0] =	vst.idx.add.s32.msk $0xffff, v1  }
0x126: {  	[tilespmem:v3+s17+$0x0] =	vst.idx.add.s32.msk $0xffff, v1;
	v3 =	vshra.s32 v15, $0xF  }
0x127: {  	[tilespmem:v2+s17+$0x0] =	vst.idx.add.s32.msk $0xffff, v1;
	v2 =	vshra.s32 v16, $0xF  }
0x128: {  	[tilespmem:v63+s17+$0x0] =	vst.idx.add.s32.msk $0xffff, v1  }
0x129: {  	[tilespmem:v4+s17+$0x0] =	vst.idx.add.s32.msk $0xffff, v1  }
0x12a: {  	s23 =	simm.s32 $0x8;
	s22 =	simm.s32 $0x800;
	s21 =	simm.s32 $0x0;
	[tilespmem:v5+s17+$0x0] =	vst.idx.add.s32.msk $0xffff, v1  }
.LBB2_12:
0x12b: {  	s24 =	sand.u32 $0x7800, s22;
	s25 =	sand.u32 $0x380, s23;
	s21 =	sadd.s32 $0x10, s21;
	[tilespmem:v3+s17+$0x0] =	vst.idx.add.s32.msk $0xffff, v1  }
0x12c: {  	s24 =	sor.u32 s25, s24;
	p0 =	slt.u32 s21, $0x7F0;
	[tilespmem:v2+s17+$0x0] =	vst.idx.add.s32.msk $0xffff, v1  }
0x12d: {  	v2 =	vld [tilespmem:s24+$0x8470]  }
0x12e: {  	v3 =	vld [tilespmem:s24+$0x8000]  }
0x12f: {  	v4 =	vld [tilespmem:s24+$0x8010]  }
0x130: {  	v5 =	vld [tilespmem:s24+$0x8020]  }
0x131: {  	v6 =	vld [tilespmem:s24+$0x8030]  }
0x132: {  	v7 =	vld [tilespmem:s24+$0x8040];
	v2 =	vshra.s32 v2, $0xF  }
0x133: {  	v3 =	vshra.s32 v3, $0xF;
	v8 =	vld [tilespmem:s24+$0x8050]  }
0x134: {  	v4 =	vshra.s32 v4, $0xF;
	v9 =	vld [tilespmem:s24+$0x8060]  }
0x135: {  	v5 =	vshra.s32 v5, $0xF;
	v10 =	vld [tilespmem:s24+$0x8070]  }
0x136: {  	v6 =	vshra.s32 v6, $0xF;
	v11 =	vld [tilespmem:s24+$0x8400]  }
0x137: {  	v7 =	vshra.s32 v7, $0xF;
	[tilespmem:v2+s17+$0x0] =	vst.idx.add.s32.msk $0xffff, v1  }
0x138: {  	v8 =	vshra.s32 v8, $0xF;
	v2 =	vld [tilespmem:s24+$0x8410]  }
0x139: {  	v9 =	vshra.s32 v9, $0xF;
	v12 =	vld [tilespmem:s24+$0x8420]  }
0x13a: {  	v10 =	vshra.s32 v10, $0xF;
	v13 =	vld [tilespmem:s24+$0x8430]  }
0x13b: {  	v11 =	vshra.s32 v11, $0xF;
	v14 =	vld [tilespmem:s24+$0x8440]  }
0x13c: {  	v15 =	vld [tilespmem:s24+$0x8450]  }
0x13d: {  	v16 =	vshra.s32 v2, $0xF;
	v2 =	vld [tilespmem:s24+$0x8460]  }
0x13e: {  	[tilespmem:v3+s17+$0x0] =	vst.idx.add.s32.msk $0xffff, v1;
	v12 =	vshra.s32 v12, $0xF  }
0x13f: {  	[tilespmem:v4+s17+$0x0] =	vst.idx.add.s32.msk $0xffff, v1;
	v4 =	vshra.s32 v13, $0xF  }
0x140: {  	[tilespmem:v5+s17+$0x0] =	vst.idx.add.s32.msk $0xffff, v1;
	v5 =	vshra.s32 v14, $0xF  }
0x141: {  	[tilespmem:v6+s17+$0x0] =	vst.idx.add.s32.msk $0xffff, v1;
	v3 =	vshra.s32 v15, $0xF  }
0x142: {  	[tilespmem:v7+s17+$0x0] =	vst.idx.add.s32.msk $0xffff, v1;
	v2 =	vshra.s32 v2, $0xF  }
0x143: {  	[tilespmem:v8+s17+$0x0] =	vst.idx.add.s32.msk $0xffff, v1  }
0x144: {  	[tilespmem:v9+s17+$0x0] =	vst.idx.add.s32.msk $0xffff, v1  }
0x145: {  	[tilespmem:v10+s17+$0x0] =	vst.idx.add.s32.msk $0xffff, v1  }
.Ltmp5:
0x146: {  	[tilespmem:v11+s17+$0x0] =	vst.idx.add.s32.msk $0xffff, v1;
	(pc) =	sbr.rel @p0 .LBB2_12-.Ltmp5, $4  }
0x147: {  	[tilespmem:v16+s17+$0x0] =	vst.idx.add.s32.msk $0xffff, v1  }
0x148: {  	[tilespmem:v12+s17+$0x0] =	vst.idx.add.s32.msk $0xffff, v1  }
0x149: {  	[tilespmem:v4+s17+$0x0] =	vst.idx.add.s32.msk $0xffff, v1  }
0x14a: {  	s22 =	sadd.s32 $0x800, s22;
	s23 =	sadd.s32 $0x8, s23;
	[tilespmem:v5+s17+$0x0] =	vst.idx.add.s32.msk $0xffff, v1  }
0x14b: {  	_ =	sdelay $0x2  }
0x14c: {  	s3 =	sadd.s32 $0x1, s3  }
0x14d: {  	[tilespmem:v3+s17+$0x0] =	vst.idx.add.s32.msk $0xffff, v1;
	p0 =	sne.s32 s3, s11  }
.Ltmp6:
0x14e: {  	[tilespmem:v2+s17+$0x0] =	vst.idx.add.s32.msk $0xffff, v1;
	(pc) =	sbr.rel @p0 .LBB2_1-.Ltmp6, $4  }
0x14f: {  	[hbm4b:s10+s19] =	stream.strided.scatter [tilespmem:s17], [sflag:$0x3], $0x8000, s20, s19, $0x38;
	[tilespmem:$0x18100] =	vst v63  }
0x150: {  	_ =	swait.ge [sflag:s13], $0x8000  }
0x151: {  	[sflag:s13] =	ssyncset.done $0x0  }
0x152: {  	[sflag:s13] =	ssyncadd.s32 $0xFFFF8000  }
0x153: {  	_ =	sfence.sel $0x180000  }
0x154: {  	[bflag:$0x0] =	sbarrier.arrive $0xFFFF  }
0x155: {  	p0 =	sne.s32 s2, $0x0;
	_ =	strace $0x90000047  }
0x156: {  	s0 =	sadd.s32 @!p0 $0x100000, s0;
	[bflag:$0x2] =	sbarrier.arrive $0xFFFF  }
0x157: {  	[sflag:s0] =	ssyncadd.tile.s32 @!p0 $0x1;
	_ =	shalt  }
.Lfunc_end2:
_tile_overlayer_lowered:
.L_overlay_start_2:
0x158: {  	(tag) =	ssettag $0x2  }
0x159: {  	s0 =	rddreg [dreg:$0x0];
	s2 =	stileid.u32  }
0x15a: {  	s1 =	rddreg [dreg:$0x1];
	p0 =	sne.s32 s2, $0x0  }
0x15b: {  	s3 =	rddreg [dreg:$0x2];
	[bflag:$0x3] =	sbarrier.arrive $0xFFFF;
	s2 =	simm.s32 @!p0 $0x1C03  }
0x15c: {  	[timem:s3], [sflag:s2] =	dma.local @!p0 [hbm:s0], s1  }
0x15d: {  	s0 =	simm.s32 @!p0 $0x3  }
0x15e: {  	_ =	swait.ge @!p0 [sflag:s0], s1  }
0x15f: {  	s1 =	ssub.s32 @!p0 $0x0, s1;
	[sflag:s0] =	ssyncset.done @!p0 $0x0  }
0x160: {  	[sflag:s0] =	ssyncadd.s32 @!p0 s1  }
0x161: {  	[bflag:$0x3] =	sbarrier.arrive $0xFFFF  }
0x162: {  	_ =	shalt  }

// kernel: kernel.9.cloned.1.call-start
scs
__scs_entry_jumppad:
0x0: {  	(pc) =	sbr.rel $0x88, $3  }
0x1: {  	(tag) =	ssettag $0x0;
	lr =	simm.s32 $0x1  }
0x2: {  	[smem:$0x3F9D] =	sst lr;
	_ =	strace $0xD0000000  }
0x3: {  	_ = 	snop  }
0x4: {  	_ = 	snop  }
0x5: {  	_ = 	snop  }
0x6: {  	_ = 	snop  }
0x7: {  	_ = 	snop  }
__scs_overlays_trampoline_lowered:
0x8: {  	[smem:$0x3FAC] =	sst s0  }
0x9: {  	[smem:$0x3FAD] =	sst s1  }
0xa: {  	[smem:$0x3FAE] =	sst s2  }
0xb: {  	[smem:$0x3FAF] =	sst s3  }
0xc: {  	[smem:$0x3FB0] =	sst s4  }
0xd: {  	[smem:$0x3FB1] =	sst s5  }
0xe: {  	[smem:$0x3FB2] =	sst s6  }
0xf: {  	[smem:$0x3FB3] =	sst s7  }
0x10: {  	[smem:$0x3FB4] =	sst s8  }
0x11: {  	[smem:$0x3FB5] =	sst s9;
	s0 =	simm.s32 @!p0 $0x0  }
0x12: {  	s1 =	sld [smem:$0x3F9B];
	s0 =	simm.s32 @p0 $0x1  }
0x13: {  	[smem:$0x3FB6] =	sst s0;
	s0 =	simm.s32 @!p1 $0x0  }
0x14: {  	s2 =	sld [smem:$0x3F9A];
	s0 =	simm.s32 @p1 $0x1  }
0x15: {  	[smem:$0x3FB7] =	sst s0;
	s0 =	simm.s32 @!p2 $0x0  }
0x16: {  	s3 =	sld [smem:$0x3FDB];
	s0 =	simm.s32 @p2 $0x1  }
0x17: {  	s4 =	simm.s32 $0x1BF5;
	[smem:$0x3FB9] =	sst s0  }
0x18: {  	s0 =	sld [smem:$0x3F9C];
	_ =	swait.ge [sflag:s4], $0x0  }
0x19: {  	s7 =	sld [smem:$0x3F9D]  }
0x1a: {  	s8 =	sadd.s32 $0xFFFFE003, lr  }
0x1b: {  	s9 =	sadd.s32 $0xFFFFFEF7, lr;
	s5 =	simm.s32 $0xFFFFFFFF;
	p2 =	slt.u32 s8, $0xFFFFF086  }
0x1c: {  	p1 =	slt.u32 s9, $0xF7A;
	s5 =	simm.s32 @!p2 $0x0  }
0x1d: {  	s5 =	simm.s32 @p1 $0x1;
	p0 =	seq.s32 s7, s2  }
0x1e: {  	s7 =	smul.u32 @!p0 $0xF7A, s2;
	p2 =	seq.s32 @!p0 s5, $0x0  }
0x1f: {  	s9 =	smul.u32 $0xF7A, s1;
	s8 =	simm.s32 @!p0 $0x1BF5;
	p2 =	por !p2, p0  }
0x20: {  	[sflag:s8] =	ssyncset.s32 @!p0 $0xFFFFF086;
	s6 =	sadd.s32 @!p0 s3, s7;
	s7 =	simm.s32 @!p0 $0x108  }
0x21: {  	s3 =	sadd.s32 s3, s9;
	s6 =	sadd.s32 @!p0 $0x88, s6;
	s7 =	simm.s32 @p2 $0x1082  }
0x22: {  	[simem:s7], [sflag:s8] =	dma.local @!p0 [hbm:s6], $0xF7A  }
0x23: {  	s9 =	sor.u32 $0xD0000000, s2;
	s6 =	simm.s32 $0x108;
	_ =	swait.ge @!p0 [sflag:s8], $0x0  }
0x24: {  	s3 =	sadd.s32 $0x88, s3;
	s6 =	simm.s32 @!p1 $0x1082;
	[sflag:s4] =	ssyncset.s32 $0xFFFFF086  }
0x25: {  	[simem:s6], [sflag:s4] =	dma.local [hbm:s3], $0xF7A  }
0x26: {  	[smem:$0x3F9D] =	sst s1;
	(tag) =	ssettag s2;
	_ =	strace s9  }
0x27: {  	s1 =	sld [smem:$0x3FAD]  }
0x28: {  	s2 =	sld [smem:$0x3FAE]  }
0x29: {  	s4 =	sld [smem:$0x3FB0]  }
0x2a: {  	p0 =	seq.s32 s5, $0x0;
	s5 =	sld [smem:$0x3FB1]  }
0x2b: {  	s6 =	sld [smem:$0x3FB2]  }
0x2c: {  	s7 =	sld [smem:$0x3FB3]  }
0x2d: {  	s3 =	simm.s32 $0x108;
	s8 =	sld [smem:$0x3FB4]  }
0x2e: {  	s3 =	simm.s32 @!p0 $0x1082;
	s9 =	sld [smem:$0x3FB5]  }
0x2f: {  	lr =	sadd.s32 s0, s3;
	s0 =	sld [smem:$0x3FAC]  }
0x30: {  	s3 =	sld [smem:$0x3FAF]  }
0x31: {  	[smem:$0x3FB8] =	sst s10  }
0x32: {  	s10 =	sld [smem:$0x3FB6];
	_ =	sdelay $0x3  }
0x33: {  	p0 =	seq.s32 s10, $0x1;
	s10 =	sld [smem:$0x3FB8];
	_ =	sdelay $0x3  }
0x34: {  	[smem:$0x3FB8] =	sst s10  }
0x35: {  	s10 =	sld [smem:$0x3FB7];
	_ =	sdelay $0x3  }
0x36: {  	p1 =	seq.s32 s10, $0x1;
	s10 =	sld [smem:$0x3FB8];
	_ =	sdelay $0x3  }
0x37: {  	[smem:$0x3FB8] =	sst s10  }
0x38: {  	s10 =	sld [smem:$0x3FB9]  }
0x39: {  	_ = 	snop;
	(pc) =	sbr.ind lr, $3  }
0x3a: {  	_ = 	snop  }
0x3b: {  	_ = 	snop  }
0x3c: {  	p2 =	seq.s32 s10, $0x1;
	s10 =	sld [smem:$0x3FB8]  }
0x3d: {  	_ =	shalt  }
0x3e: {  	_ =	shalt  }
0x3f: {  	_ =	shalt  }
0x40: {  	_ =	shalt  }
0x41: {  	_ =	shalt  }
0x42: {  	_ =	shalt  }
0x43: {  	_ =	shalt  }
0x44: {  	_ =	shalt  }
0x45: {  	_ =	shalt  }
0x46: {  	_ =	shalt  }
0x47: {  	_ =	shalt  }
0x48: {  	_ =	shalt  }
0x49: {  	_ =	shalt  }
0x4a: {  	_ =	shalt  }
0x4b: {  	_ =	shalt  }
0x4c: {  	_ =	shalt  }
0x4d: {  	_ =	shalt  }
0x4e: {  	_ =	shalt  }
0x4f: {  	_ =	shalt  }
0x50: {  	_ =	shalt  }
0x51: {  	_ =	shalt  }
0x52: {  	_ =	shalt  }
0x53: {  	_ =	shalt  }
0x54: {  	_ =	shalt  }
0x55: {  	_ =	shalt  }
0x56: {  	_ =	shalt  }
0x57: {  	_ =	shalt  }
0x58: {  	_ =	shalt  }
0x59: {  	_ =	shalt  }
0x5a: {  	_ =	shalt  }
0x5b: {  	_ =	shalt  }
0x5c: {  	_ =	shalt  }
0x5d: {  	_ =	shalt  }
0x5e: {  	_ =	shalt  }
0x5f: {  	_ =	shalt  }
0x60: {  	_ =	shalt  }
0x61: {  	_ =	shalt  }
0x62: {  	_ =	shalt  }
0x63: {  	_ =	shalt  }
0x64: {  	_ =	shalt  }
0x65: {  	_ =	shalt  }
0x66: {  	_ =	shalt  }
0x67: {  	_ =	shalt  }
0x68: {  	_ =	shalt  }
0x69: {  	_ =	shalt  }
0x6a: {  	_ =	shalt  }
0x6b: {  	_ =	shalt  }
0x6c: {  	_ =	shalt  }
0x6d: {  	_ =	shalt  }
0x6e: {  	_ =	shalt  }
0x6f: {  	_ =	shalt  }
0x70: {  	_ =	shalt  }
0x71: {  	_ =	shalt  }
0x72: {  	_ =	shalt  }
0x73: {  	_ =	shalt  }
0x74: {  	_ =	shalt  }
0x75: {  	_ =	shalt  }
0x76: {  	_ =	shalt  }
0x77: {  	_ =	shalt  }
0x78: {  	_ =	shalt  }
0x79: {  	_ =	shalt  }
0x7a: {  	_ =	shalt  }
0x7b: {  	_ =	shalt  }
0x7c: {  	_ =	shalt  }
0x7d: {  	_ =	shalt  }
0x7e: {  	_ =	shalt  }
0x7f: {  	_ =	shalt  }
0x80: {  	_ =	shalt  }
0x81: {  	_ =	shalt  }
0x82: {  	_ =	shalt  }
0x83: {  	_ =	shalt  }
0x84: {  	_ =	shalt  }
0x85: {  	_ =	shalt  }
0x86: {  	_ =	shalt  }
0x87: {  	_ =	shalt  }
.Lfunc_end0:
.L_simem_size_0:
called_computation.1_lowered:
.L_overlay_start_0:
0x88: {  	s2 =	sld [smem:$0x3FD9]  }
0x89: {  	s3 =	sld [smem:$0x3FFE];
	_ =	sdelay $0x1  }
0x8a: {  	s1 =	srdreg.scid  }
0x8b: {  	s0 =	sand.u32 $0x1, s1  }
0x8c: {  	s17 =	sshll.u32 s0, $0xA;
	s2 =	sadd.s32 s3, s2  }
0x8d: {  	s2 =	sadd.s32 s2, s17  }
0x8e: {  	[smem:$0x3FC4] =	sst s2  }
0x8f: {  	_ = 	snop  }
0x90: {  	s2 =	sld [smem:$0x3FC7]  }
0x91: {  	s18 =	sld [smem:$0x3FD0];
	(tm) =	ssettm $0x1  }
0x92: {  	s4 =	sld [smem:$0x3FFB];
	_ =	sdelay $0x3  }
0x93: {  	_ =	strace s4  }
0x94: {  	s4 =	sld [smem:$0x3FFC];
	_ =	sdelay $0x3  }
0x95: {  	_ =	strace s4  }
0x96: {  	s4 =	sld [smem:$0x3FFD];
	_ =	sdelay $0x3  }
0x97: {  	_ =	strace s4  }
0x98: {  	_ =	strace $0x8FFFFFFF  }
0x99: {  	s19 =	sld [smem:$0x3FDB];
	_ =	sdelay $0x1  }
0x9a: {  	s5 =	simm.s32 $_scs_section_size  }
0x9b: {  	s6 =	simm.s32 $_size__tile_overlayer_lowered;
	s7 =	simm.s32 $_tile_overlayer_lowered  }
0x9c: {  	s22 =	simm.s32 $0x1BFF;
	s21 =	sshll.u32 s7, $0x1;
	s4 =	sadd.s32 s5, s19  }
0x9d: {  	s8 =	simm.s32 $0x0;
	s20 =	sshll.u32 s6, $0x1;
	s6 =	sadd.s32 s21, s4  }
0x9e: {  	[timem:s8], [sflag:s22] =	dma.local [hbm:s6], s20  }
0x9f: {  	_ =	swait.ge [sflag:s22], s20  }
0xa0: {  	s5 =	ssub.s32 $0x0, s20;
	[sflag:s22] =	ssyncset.done $0x0  }
0xa1: {  	[sflag:s22] =	ssyncadd.s32 s5;
	_ =	sdelay $0x1  }
0xa2: {  	s23 =	simm.s32 $0x1B8B  }
0xa3: {  	_ =	swait.ge [sflag:s23], $0x1  }
0xa4: {  	[sflag:s23] =	ssyncset.done $0x0  }
0xa5: {  	s25 =	simm.s32 $0x1B8E;
	s24 =	sld [smem:$0x3FFE];
	[sflag:s23] =	ssyncadd.s32 $0xFFFFFFFF  }
0xa6: {  	s26 =	simm.s32 $execute0_lowered;
	[smem:$0x3FD2] =	sst s25  }
0xa7: {  	s6 =	sshll.u32 s26, $0x1;
	_ =	strace $0x80000049;
	[dreg:$0x1] =	wrdreg $0xFFFFFFFF  }
0xa8: {  	s28 =	simm.s32 $_size_execute0_lowered;
	s4 =	sadd.s32 s4, s6;
	[dreg:$0x0] =	wrdreg $0x0  }
0xa9: {  	s6 =	sshll.u32 s28, $0x1;
	[dreg:$0x2] =	wrdreg s4  }
0xaa: {  	[dreg:$0x3] =	wrdreg s6  }
0xab: {  	[dreg:$0x4] =	wrdreg $0xC0  }
0xac: {  	_ =	task [dreg:s8], $0x5FFFF  }
0xad: {  	[dreg:$0x1] =	wrdreg $0xFFFFFFFF  }
0xae: {  	[dreg:$0x0] =	wrdreg $0x60  }
0xaf: {  	[dreg:$0x2] =	wrdreg s2  }
0xb0: {  	[dreg:$0x3] =	wrdreg s24  }
0xb1: {  	[dreg:$0x4] =	wrdreg s18  }
0xb2: {  	[dreg:$0x5] =	wrdreg $0x9  }
0xb3: {  	_ =	task.clear_ibuf [dreg:s8], $0x6FFFF;
	_ =	strace $0x90000049  }
0xb4: {  	s29 =	simm.s32 $0x9;
	_ =	strace $0x8000004B  }
0xb5: {  	_ =	swait.ge [sflag:s29], $0x1  }
0xb6: {  	[sflag:s29] =	ssyncadd.s32 $0xFFFFFFFF  }
0xb7: {  	_ =	strace $0x9000004B  }
0xb8: {  	_ =	sfence  }
0xb9: {  	s30 =	sld [smem:$0x0];
	_ =	sdelay $0x2  }
0xba: {  	s31 =	sshll.u32 s1, $0xD;
	s1 =	sshrl.u32 s1, $0x2  }
0xbb: {  	s3 =	sand.u32 $0x4000, s31;
	s1 =	sadd.s32 s1, s30  }
0xbc: {  	s0 =	sor.u32 s3, s0;
	s1 =	sshll.u32 s1, $0x11  }
0xbd: {  	s0 =	sor.u32 s1, s0  }
0xbe: {  	s0 =	sadd.s32 $0x8F2B, s0  }
0xbf: {  	[sflag:s0] =	ssyncadd.remote.s32 $0x1  }
0xc0: {  	_ =	sfence.sel $0xFFFF  }
0xc1: {  	[dreg:$0x0] =	wrdreg $0xFFFFFFFF;
	(pc) =	sbr.abs _section_cstart, $3  }
0xc2: {  	[dreg:$0x1] =	wrdreg $0xFFFFFFFF  }
0xc3: {  	_ =	task.clear_ibuf [dreg:s8], $0x2FFFF;
	_ =	strace $0x9FFFFFFF  }
0xc4: {  	(tm) =	ssettm $0x7FFFFFFF  }
0xc5: {  	_ =	shalt  }
tec
execute0_lowered:
.L_overlay_start_1:
0x0: {  	(tag) =	ssettag $0x1  }
0x1: {  	s1 =	rddreg [dreg:$0x0]  }
0x2: {  	s6 =	rddreg [dreg:$0x1]  }
0x3: {  	s10 =	rddreg [dreg:$0x2]  }
0x4: {  	s0 =	rddreg [dreg:$0x3];
	s3 =	simm.s32 $0x0;
	s4 =	srdreg.scid  }
0x5: {  	s2 =	stileid.u32;
	s13 =	simm.s32 $0x3;
	s14 =	simm.s32 $0x18080  }
0x6: {  	s15 =	simm.s32 $0x8000;
	s16 =	simm.s32 $0x1;
	s17 =	simm.s32 $0x10000  }
0x7: {  	s18 =	simm.s32 $0x2;
	s19 =	simm.s32 $0x80;
	s20 =	simm.s32 $0x400  }
0x8: {  	[smem:$0x7FF] =	sst s3;
	s4 =	sand.u32 $0x1, s4;
	s5 =	sshll.u32 s2, $0x1  }
0x9: {  	s9 =	sshll.u32 s2, $0x10;
	_ =	strace $0x8000004A;
	s7 =	sor.u32 s4, s5  }
0xa: {  	s8 =	ssub.s32 $0x2, s4;
	s5 =	sadd.s32 $0x200, s6;
	s4 =	sshll.u32 s7, $0x7  }
0xb: {  	s6 =	sadd.s32 $0x400, s6;
	s11 =	sshrl.u32 s8, $0x1;
	s9 =	sor.u32 s9, s4  }
0xc: {  	s7 =	sshll.u32 s7, $0x13;
	s11 =	ssub.s32 s8, s11;
	s9 =	sand.u32 $0xC0380, s9  }
0xd: {  	s8 =	sor.u32 $0x10, s4;
	s11 =	smax.u32 s11, $0x1;
	s12 =	sshrl.u32 s9, $0x3  }
0xe: {  	v0 =	vimm.s32 $0x0;
	v1 =	vimm.s32 $0x1;
	s9 =	sor.u32 $0x78000, s7;
	s10 =	sadd.s32 s10, s12;
	s12 =	simm.s32 $0x18000  }
.LBB2_1:
0xf: {  	s21 =	simm.s32 $0x10020  }
0x10: {  	[tilespmem:s21+$0xFFFFFFE0] =	vst v0  }
0x11: {  	[tilespmem:s21+$0x10] =	vst v0  }
0x12: {  	s22 =	simm.s32 $0x0;
	[tilespmem:s21+$0x0] =	vst v0  }
.LBB2_2:
0x13: {  	s22 =	sadd.s32 $0x4, s22  }
0x14: {  	[tilespmem:s21+$0xFFFFFFF0] =	vst v0;
	s21 =	sadd.s32 $0x40, s21;
	p0 =	slt.u32 s22, $0x7FC  }
.Ltmp0:
0x15: {  	[tilespmem:s21+$0xFFFFFFE0] =	vst v0;
	(pc) =	sbr.rel @p0 .LBB2_2-.Ltmp0, $3  }
0x16: {  	_ =	sdelay $0x1  }
0x17: {  	[tilespmem:s21+$0x10] =	vst v0  }
0x18: {  	[tilespmem:s21+$0x0] =	vst v0  }
0x19: {  	[tilespmem:s21+$0xFFFFFFF0] =	vst v0;
	s21 =	simm.s32 $0x0  }
0x1a: {  	[tilespmem:s12], [sflag:$0x3] =	stream.linear.gather [hbm4b:s5+s21], $0x80, $0x38;
	[tilespmem:$0x18100] =	vst v63  }
0x1b: {  	_ =	swait.ge [sflag:s13], $0x80  }
0x1c: {  	[sflag:s13] =	ssyncset.done $0x0  }
0x1d: {  	[sflag:s13] =	ssyncadd.s32 $0xFFFFFF80  }
0x1e: {  	v2 =	vld [tilespmem:$0x18000];
	_ =	sdelay $0x4  }
0x1f: {  	v2 =	vxor.u32 $0x80000000, v2  }
0x20: {  	(xrf0) =	vmax.scan.msk.u32 $0xffff, v2;
	_ =	sdelay $0x5  }
0x21: {  	v2, _, _ =	vpop (xrf0)  }
0x22: {  	(v2sf) =	vpush v2, $0xF;
	_ =	sdelay $0xd  }
0x23: {  	[tilespmem:s14], [sflag:$0x3] =	stream.linear.gather [hbm4b:s6+s21], $0x80, $0x38;
	[tilespmem:$0x18100] =	vst v63  }
0x24: {  	s22 =	spop (v2sf)  }
0x25: {  	s22 =	sshll.u32 s22, $0x18  }
0x26: {  	_ =	swait.ge [sflag:s13], $0x80;
	s23 =	sor.u32 s7, s22  }
0x27: {  	[sflag:s13] =	ssyncset.done $0x0;
	s23 =	sshrl.u32 s23, $0x3  }
0x28: {  	[sflag:s13] =	ssyncadd.s32 $0xFFFFFF80;
	s23 =	sadd.s32 s1, s23  }
0x29: {  	v2 =	vld [tilespmem:$0x18080];
	[tilespmem:s21], [sflag:$0x1] =	stream.linear.gather [hbm4b:s23+s21], $0x8000, $0x38  }
0x2a: {  	s23 =	simm.s32 $0x0  }
.LBB2_4:
0x2b: {  	s24 =	sshll.u32 s23, $0x4  }
0x2c: {  	s25 =	sadd.s32 s24, s4  }
0x2d: {  	s25 =	sshll.u32 s25, $0xC  }
0x2e: {  	s25 =	sadd.s32 s22, s25  }
0x2f: {  	s25 =	sadd.s32 $0x8000, s25  }
0x30: {  	s25 =	sshrl.u32 s25, $0x3  }
0x31: {  	s25 =	sadd.s32 s1, s25  }
0x32: {  	[tilespmem:s15], [sflag:$0x2] =	stream.linear.gather [hbm4b:s25+s21], $0x8000, $0x38;
	[tilespmem:$0x18100] =	vst v63  }
0x33: {  	_ =	swait.ge [sflag:s16], $0x8000  }
0x34: {  	s31 =	sand.u32 $0x7800, s21;
	s26 =	sand.u32 $0x380, s21;
	[sflag:s16] =	ssyncset.done $0x0  }
0x35: {  	s25 =	sor.u32 s26, s31;
	[sflag:s16] =	ssyncadd.s32 $0xFFFF8000  }
0x36: {  	v3 =	vld [tilespmem:s25+$0x470]  }
0x37: {  	v4 =	vld [tilespmem:s25+$0x0]  }
0x38: {  	v5 =	vld [tilespmem:s25+$0x10]  }
0x39: {  	v6 =	vld [tilespmem:s25+$0x20]  }
0x3a: {  	v7 =	vld [tilespmem:s25+$0x30]  }
0x3b: {  	v8 =	vld [tilespmem:s25+$0x40];
	v9 =	vshra.s32 v3, $0xF  }
0x3c: {  	v10 =	vld [tilespmem:s25+$0x50];
	vm0 =	veq.s32 v9, v2  }
0x3d: {  	v58 =	vld [tilespmem:s25+$0x60];
	v3 =	vand.u32 $0x7FFF, v3  }
0x3e: {  	v11 =	vld [tilespmem:s25+$0x70]  }
0x3f: {  	v12 =	vld [tilespmem:s25+$0x400]  }
0x40: {  	v14 =	vld [tilespmem:s25+$0x410];
	v13 =	vshra.s32 v4, $0xF;
	v59 =	vshra.s32 v5, $0xF  }
0x41: {  	v15 =	vld [tilespmem:s25+$0x420];
	v4 =	vand.u32 $0x7FFF, v4;
	v60 =	vshra.s32 v6, $0xF;
	vm1 =	veq.s32 v13, v2  }
0x42: {  	vm2 =	veq.s32 v59, v2;
	[tilespmem:v3+s17+$0x0] =	vst.idx.add.s32.msk vm0, v1;
	v3 =	vand.u32 $0x7FFF, v5;
	v5 =	vshra.s32 v7, $0xF  }
0x43: {  	v61 =	vld [tilespmem:s25+$0x430];
	vm0 =	veq.s32 v60, v2;
	vm3 =	veq.s32 v5, v2;
	v5 =	vshra.s32 v8, $0xF  }
0x44: {  	v16 =	vld [tilespmem:s25+$0x440];
	v6 =	vand.u32 $0x7FFF, v6;
	vm4 =	veq.s32 v5, v2;
	v5 =	vshra.s32 v10, $0xF  }
0x45: {  	v17 =	vld [tilespmem:s25+$0x450];
	v7 =	vand.u32 $0x7FFF, v7;
	vm5 =	veq.s32 v5, v2;
	v5 =	vshra.s32 v58, $0xF  }
0x46: {  	v18 =	vld [tilespmem:s25+$0x460];
	vm6 =	veq.s32 v5, v2;
	v5 =	vshra.s32 v11, $0xF  }
0x47: {  	[tilespmem:v4+s17+$0x0] =	vst.idx.add.s32.msk vm1, v1;
	v8 =	vand.u32 $0x7FFF, v8;
	vm1 =	veq.s32 v5, v2;
	v5 =	vshra.s32 v12, $0xF  }
0x48: {  	v4 =	vand.u32 $0x7FFF, v58;
	[tilespmem:v3+s17+$0x0] =	vst.idx.add.s32.msk vm2, v1;
	vm2 =	veq.s32 v5, v2;
	v5 =	vshra.s32 v14, $0xF  }
0x49: {  	[tilespmem:v6+s17+$0x0] =	vst.idx.add.s32.msk vm0, v1;
	v6 =	vand.u32 $0x7FFF, v12;
	vm0 =	veq.s32 v5, v2  }
0x4a: {  	[tilespmem:v7+s17+$0x0] =	vst.idx.add.s32.msk vm3, v1;
	v7 =	vand.u32 $0x7FFF, v14  }
0x4b: {  	v3 =	vand.u32 $0x7FFF, v11;
	v5 =	vshra.s32 v15, $0xF  }
0x4c: {  	v10 =	vand.u32 $0x7FFF, v10;
	vm3 =	veq.s32 v5, v2;
	v5 =	vshra.s32 v61, $0xF;
	[tilespmem:v8+s17+$0x0] =	vst.idx.add.s32.msk vm4, v1  }
0x4d: {  	v62 =	vand.u32 $0x7FFF, v15;
	vm14 =	veq.s32 v5, v2;
	v5 =	vshra.s32 v16, $0xF;
	[tilespmem:v4+s17+$0x0] =	vst.idx.add.s32.msk vm6, v1  }
0x4e: {  	v63 =	vand.u32 $0x7FFF, v61;
	vm15 =	veq.s32 v5, v2;
	v4 =	vshra.s32 v17, $0xF;
	[tilespmem:v6+s17+$0x0] =	vst.idx.add.s32.msk vm2, v1  }
0x4f: {  	v5 =	vand.u32 $0x7FFF, v16;
	v6 =	vshra.s32 v18, $0xF;
	[tilespmem:v7+s17+$0x0] =	vst.idx.add.s32.msk vm0, v1;
	vm0 =	veq.s32 v4, v2  }
0x50: {  	[tilespmem:v3+s17+$0x0] =	vst.idx.add.s32.msk vm1, v1;
	v3 =	vand.u32 $0x7FFF, v17;
	vm1 =	veq.s32 v6, v2  }
0x51: {  	[tilespmem:v10+s17+$0x0] =	vst.idx.add.s32.msk vm5, v1;
	v4 =	vand.u32 $0x7FFF, v18  }
0x52: {  	[tilespmem:v62+s17+$0x0] =	vst.idx.add.s32.msk vm3, v1  }
0x53: {  	[tilespmem:v63+s17+$0x0] =	vst.idx.add.s32.msk vm14, v1  }
0x54: {  	s28 =	simm.s32 $0x8;
	s26 =	simm.s32 $0x800;
	s25 =	simm.s32 $0x0;
	[tilespmem:v5+s17+$0x0] =	vst.idx.add.s32.msk vm15, v1  }
.LBB2_5:
0x55: {  	s29 =	sand.u32 $0x7800, s26;
	s30 =	sand.u32 $0x380, s28;
	s25 =	sadd.s32 $0x10, s25;
	[tilespmem:v3+s17+$0x0] =	vst.idx.add.s32.msk vm0, v1  }
0x56: {  	s29 =	sor.u32 s30, s29;
	p0 =	slt.u32 s25, $0x7F0;
	[tilespmem:v4+s17+$0x0] =	vst.idx.add.s32.msk vm1, v1  }
0x57: {  	v3 =	vld [tilespmem:s29+$0x470]  }
0x58: {  	v4 =	vld [tilespmem:s29+$0x0]  }
0x59: {  	v5 =	vld [tilespmem:s29+$0x10]  }
0x5a: {  	v6 =	vld [tilespmem:s29+$0x20]  }
0x5b: {  	v7 =	vld [tilespmem:s29+$0x30]  }
0x5c: {  	v8 =	vld [tilespmem:s29+$0x40];
	v9 =	vshra.s32 v3, $0xF  }
0x5d: {  	v10 =	vshra.s32 v4, $0xF;
	v4 =	vand.u32 $0x7FFF, v4;
	v11 =	vld [tilespmem:s29+$0x50];
	vm6 =	veq.s32 v9, v2  }
0x5e: {  	v3 =	vand.u32 $0x7FFF, v3;
	vm0 =	veq.s32 v10, v2;
	v9 =	vshra.s32 v5, $0xF;
	v10 =	vld [tilespmem:s29+$0x60]  }
0x5f: {  	v5 =	vand.u32 $0x7FFF, v5;
	vm1 =	veq.s32 v9, v2;
	v9 =	vshra.s32 v6, $0xF;
	v12 =	vld [tilespmem:s29+$0x70]  }
0x60: {  	v6 =	vand.u32 $0x7FFF, v6;
	vm2 =	veq.s32 v9, v2;
	v9 =	vshra.s32 v7, $0xF;
	v13 =	vld [tilespmem:s29+$0x400]  }
0x61: {  	v7 =	vand.u32 $0x7FFF, v7;
	vm3 =	veq.s32 v9, v2;
	v9 =	vshra.s32 v8, $0xF;
	v14 =	vld [tilespmem:s29+$0x410]  }
0x62: {  	v8 =	vand.u32 $0x7FFF, v8;
	vm4 =	veq.s32 v9, v2;
	v9 =	vshra.s32 v11, $0xF;
	v15 =	vld [tilespmem:s29+$0x420]  }
0x63: {  	vm5 =	veq.s32 v9, v2;
	v9 =	vand.u32 $0x7FFF, v11;
	v11 =	vshra.s32 v10, $0xF;
	[tilespmem:v3+s17+$0x0] =	vst.idx.add.s32.msk vm6, v1  }
0x64: {  	v10 =	vand.u32 $0x7FFF, v10;
	vm6 =	veq.s32 v11, v2;
	v3 =	vshra.s32 v12, $0xF;
	v11 =	vld [tilespmem:s29+$0x430]  }
0x65: {  	v12 =	vand.u32 $0x7FFF, v12;
	vm7 =	veq.s32 v3, v2;
	v3 =	vshra.s32 v13, $0xF;
	v16 =	vld [tilespmem:s29+$0x440]  }
0x66: {  	v13 =	vand.u32 $0x7FFF, v13;
	vm8 =	veq.s32 v3, v2;
	v3 =	vshra.s32 v14, $0xF;
	v17 =	vld [tilespmem:s29+$0x450]  }
0x67: {  	v14 =	vand.u32 $0x7FFF, v14;
	vm9 =	veq.s32 v3, v2;
	v3 =	vshra.s32 v15, $0xF;
	v18 =	vld [tilespmem:s29+$0x460]  }
0x68: {  	v15 =	vand.u32 $0x7FFF, v15;
	[tilespmem:v4+s17+$0x0] =	vst.idx.add.s32.msk vm0, v1;
	vm10 =	veq.s32 v3, v2  }
0x69: {  	[tilespmem:v5+s17+$0x0] =	vst.idx.add.s32.msk vm1, v1;
	v3 =	vshra.s32 v11, $0xF;
	v5 =	vand.u32 $0x7FFF, v11  }
0x6a: {  	[tilespmem:v6+s17+$0x0] =	vst.idx.add.s32.msk vm2, v1;
	vm2 =	veq.s32 v3, v2;
	v3 =	vshra.s32 v16, $0xF;
	v6 =	vand.u32 $0x7FFF, v16  }
0x6b: {  	[tilespmem:v7+s17+$0x0] =	vst.idx.add.s32.msk vm3, v1;
	vm3 =	veq.s32 v3, v2;
	v4 =	vshra.s32 v17, $0xF;
	v3 =	vand.u32 $0x7FFF, v17  }
0x6c: {  	[tilespmem:v8+s17+$0x0] =	vst.idx.add.s32.msk vm4, v1;
	vm0 =	veq.s32 v4, v2;
	v7 =	vshra.s32 v18, $0xF;
	v4 =	vand.u32 $0x7FFF, v18  }
0x6d: {  	[tilespmem:v9+s17+$0x0] =	vst.idx.add.s32.msk vm5, v1;
	vm1 =	veq.s32 v7, v2  }
0x6e: {  	[tilespmem:v10+s17+$0x0] =	vst.idx.add.s32.msk vm6, v1  }
0x6f: {  	[tilespmem:v12+s17+$0x0] =	vst.idx.add.s32.msk vm7, v1  }
.Ltmp1:
0x70: {  	[tilespmem:v13+s17+$0x0] =	vst.idx.add.s32.msk vm8, v1;
	(pc) =	sbr.rel @p0 .LBB2_5-.Ltmp1, $4  }
0x71: {  	[tilespmem:v14+s17+$0x0] =	vst.idx.add.s32.msk vm9, v1  }
0x72: {  	[tilespmem:v15+s17+$0x0] =	vst.idx.add.s32.msk vm10, v1  }
0x73: {  	[tilespmem:v5+s17+$0x0] =	vst.idx.add.s32.msk vm2, v1  }
0x74: {  	s26 =	sadd.s32 $0x800, s26;
	s28 =	sadd.s32 $0x8, s28;
	[tilespmem:v6+s17+$0x0] =	vst.idx.add.s32.msk vm3, v1  }
0x75: {  	_ =	sdelay $0x1  }
0x76: {  	s24 =	sadd.s32 s24, s8  }
0x77: {  	s24 =	sshll.u32 s24, $0xC  }
0x78: {  	s24 =	sadd.s32 s22, s24  }
0x79: {  	[tilespmem:v3+s17+$0x0] =	vst.idx.add.s32.msk vm0, v1;
	s24 =	sshrl.u32 s24, $0x3  }
0x7a: {  	[tilespmem:v4+s17+$0x0] =	vst.idx.add.s32.msk vm1, v1;
	s25 =	simm.s32 $0x0;
	s24 =	sadd.s32 s1, s24  }
0x7b: {  	[tilespmem:s25], [sflag:$0x1] =	stream.linear.gather [hbm4b:s24+s25], $0x8000, $0x38;
	[tilespmem:$0x18100] =	vst v63  }
0x7c: {  	_ =	swait.ge [sflag:s18], $0x8000  }
0x7d: {  	s31 =	sand.u32 $0x7800, s25;
	s25 =	sand.u32 $0x380, s25;
	[sflag:s18] =	ssyncset.done $0x0  }
0x7e: {  	s24 =	sor.u32 s25, s31;
	[sflag:s18] =	ssyncadd.s32 $0xFFFF8000  }
0x7f: {  	v3 =	vld [tilespmem:s24+$0x8470]  }
0x80: {  	v4 =	vld [tilespmem:s24+$0x8000]  }
0x81: {  	v5 =	vld [tilespmem:s24+$0x8010]  }
0x82: {  	v6 =	vld [tilespmem:s24+$0x8020]  }
0x83: {  	v7 =	vld [tilespmem:s24+$0x8030]  }
0x84: {  	v8 =	vld [tilespmem:s24+$0x8040];
	v9 =	vshra.s32 v3, $0xF  }
0x85: {  	v10 =	vld [tilespmem:s24+$0x8050];
	vm0 =	veq.s32 v9, v2  }
0x86: {  	v58 =	vld [tilespmem:s24+$0x8060];
	v3 =	vand.u32 $0x7FFF, v3  }
0x87: {  	v11 =	vld [tilespmem:s24+$0x8070]  }
0x88: {  	v12 =	vld [tilespmem:s24+$0x8400]  }
0x89: {  	v14 =	vld [tilespmem:s24+$0x8410];
	v13 =	vshra.s32 v4, $0xF;
	v59 =	vshra.s32 v5, $0xF  }
0x8a: {  	v15 =	vld [tilespmem:s24+$0x8420];
	v4 =	vand.u32 $0x7FFF, v4;
	v60 =	vshra.s32 v6, $0xF;
	vm1 =	veq.s32 v13, v2  }
0x8b: {  	vm2 =	veq.s32 v59, v2;
	[tilespmem:v3+s17+$0x0] =	vst.idx.add.s32.msk vm0, v1;
	v3 =	vand.u32 $0x7FFF, v5;
	v5 =	vshra.s32 v7, $0xF  }
0x8c: {  	v61 =	vld [tilespmem:s24+$0x8430];
	vm0 =	veq.s32 v60, v2;
	vm3 =	veq.s32 v5, v2;
	v5 =	vshra.s32 v8, $0xF  }
0x8d: {  	v16 =	vld [tilespmem:s24+$0x8440];
	v6 =	vand.u32 $0x7FFF, v6;
	vm4 =	veq.s32 v5, v2;
	v5 =	vshra.s32 v10, $0xF  }
0x8e: {  	v17 =	vld [tilespmem:s24+$0x8450];
	v7 =	vand.u32 $0x7FFF, v7;
	vm5 =	veq.s32 v5, v2;
	v5 =	vshra.s32 v58, $0xF  }
0x8f: {  	v18 =	vld [tilespmem:s24+$0x8460];
	vm6 =	veq.s32 v5, v2;
	v5 =	vshra.s32 v11, $0xF  }
0x90: {  	[tilespmem:v4+s17+$0x0] =	vst.idx.add.s32.msk vm1, v1;
	v8 =	vand.u32 $0x7FFF, v8;
	vm1 =	veq.s32 v5, v2;
	v5 =	vshra.s32 v12, $0xF  }
0x91: {  	v4 =	vand.u32 $0x7FFF, v58;
	[tilespmem:v3+s17+$0x0] =	vst.idx.add.s32.msk vm2, v1;
	vm2 =	veq.s32 v5, v2;
	v5 =	vshra.s32 v14, $0xF  }
0x92: {  	[tilespmem:v6+s17+$0x0] =	vst.idx.add.s32.msk vm0, v1;
	v6 =	vand.u32 $0x7FFF, v12;
	vm0 =	veq.s32 v5, v2  }
0x93: {  	[tilespmem:v7+s17+$0x0] =	vst.idx.add.s32.msk vm3, v1;
	v7 =	vand.u32 $0x7FFF, v14  }
0x94: {  	v3 =	vand.u32 $0x7FFF, v11;
	v5 =	vshra.s32 v15, $0xF  }
0x95: {  	v10 =	vand.u32 $0x7FFF, v10;
	vm3 =	veq.s32 v5, v2;
	v5 =	vshra.s32 v61, $0xF;
	[tilespmem:v8+s17+$0x0] =	vst.idx.add.s32.msk vm4, v1  }
0x96: {  	v62 =	vand.u32 $0x7FFF, v15;
	vm14 =	veq.s32 v5, v2;
	v5 =	vshra.s32 v16, $0xF;
	[tilespmem:v4+s17+$0x0] =	vst.idx.add.s32.msk vm6, v1  }
0x97: {  	v63 =	vand.u32 $0x7FFF, v61;
	vm15 =	veq.s32 v5, v2;
	v4 =	vshra.s32 v17, $0xF;
	[tilespmem:v6+s17+$0x0] =	vst.idx.add.s32.msk vm2, v1  }
0x98: {  	v5 =	vand.u32 $0x7FFF, v16;
	v6 =	vshra.s32 v18, $0xF;
	[tilespmem:v7+s17+$0x0] =	vst.idx.add.s32.msk vm0, v1;
	vm0 =	veq.s32 v4, v2  }
0x99: {  	[tilespmem:v3+s17+$0x0] =	vst.idx.add.s32.msk vm1, v1;
	v3 =	vand.u32 $0x7FFF, v17;
	vm1 =	veq.s32 v6, v2  }
0x9a: {  	[tilespmem:v10+s17+$0x0] =	vst.idx.add.s32.msk vm5, v1;
	v4 =	vand.u32 $0x7FFF, v18  }
0x9b: {  	[tilespmem:v62+s17+$0x0] =	vst.idx.add.s32.msk vm3, v1  }
0x9c: {  	[tilespmem:v63+s17+$0x0] =	vst.idx.add.s32.msk vm14, v1  }
0x9d: {  	s26 =	simm.s32 $0x8;
	s25 =	simm.s32 $0x800;
	s24 =	simm.s32 $0x0;
	[tilespmem:v5+s17+$0x0] =	vst.idx.add.s32.msk vm15, v1  }
.LBB2_7:
0x9e: {  	s28 =	sand.u32 $0x7800, s25;
	s29 =	sand.u32 $0x380, s26;
	s24 =	sadd.s32 $0x10, s24;
	[tilespmem:v3+s17+$0x0] =	vst.idx.add.s32.msk vm0, v1  }
0x9f: {  	s28 =	sor.u32 s29, s28;
	p0 =	slt.u32 s24, $0x7F0;
	[tilespmem:v4+s17+$0x0] =	vst.idx.add.s32.msk vm1, v1  }
0xa0: {  	v3 =	vld [tilespmem:s28+$0x8470]  }
0xa1: {  	v4 =	vld [tilespmem:s28+$0x8000]  }
0xa2: {  	v5 =	vld [tilespmem:s28+$0x8010]  }
0xa3: {  	v6 =	vld [tilespmem:s28+$0x8020]  }
0xa4: {  	v7 =	vld [tilespmem:s28+$0x8030]  }
0xa5: {  	v8 =	vld [tilespmem:s28+$0x8040];
	v9 =	vshra.s32 v3, $0xF  }
0xa6: {  	v10 =	vshra.s32 v4, $0xF;
	v4 =	vand.u32 $0x7FFF, v4;
	v11 =	vld [tilespmem:s28+$0x8050];
	vm6 =	veq.s32 v9, v2  }
0xa7: {  	v3 =	vand.u32 $0x7FFF, v3;
	vm0 =	veq.s32 v10, v2;
	v9 =	vshra.s32 v5, $0xF;
	v10 =	vld [tilespmem:s28+$0x8060]  }
0xa8: {  	v5 =	vand.u32 $0x7FFF, v5;
	vm1 =	veq.s32 v9, v2;
	v9 =	vshra.s32 v6, $0xF;
	v12 =	vld [tilespmem:s28+$0x8070]  }
0xa9: {  	v6 =	vand.u32 $0x7FFF, v6;
	vm2 =	veq.s32 v9, v2;
	v9 =	vshra.s32 v7, $0xF;
	v13 =	vld [tilespmem:s28+$0x8400]  }
0xaa: {  	v7 =	vand.u32 $0x7FFF, v7;
	vm3 =	veq.s32 v9, v2;
	v9 =	vshra.s32 v8, $0xF;
	v14 =	vld [tilespmem:s28+$0x8410]  }
0xab: {  	v8 =	vand.u32 $0x7FFF, v8;
	vm4 =	veq.s32 v9, v2;
	v9 =	vshra.s32 v11, $0xF;
	v15 =	vld [tilespmem:s28+$0x8420]  }
0xac: {  	vm5 =	veq.s32 v9, v2;
	v9 =	vand.u32 $0x7FFF, v11;
	v11 =	vshra.s32 v10, $0xF;
	[tilespmem:v3+s17+$0x0] =	vst.idx.add.s32.msk vm6, v1  }
0xad: {  	v10 =	vand.u32 $0x7FFF, v10;
	vm6 =	veq.s32 v11, v2;
	v3 =	vshra.s32 v12, $0xF;
	v11 =	vld [tilespmem:s28+$0x8430]  }
0xae: {  	v12 =	vand.u32 $0x7FFF, v12;
	vm7 =	veq.s32 v3, v2;
	v3 =	vshra.s32 v13, $0xF;
	v16 =	vld [tilespmem:s28+$0x8440]  }
0xaf: {  	v13 =	vand.u32 $0x7FFF, v13;
	vm8 =	veq.s32 v3, v2;
	v3 =	vshra.s32 v14, $0xF;
	v17 =	vld [tilespmem:s28+$0x8450]  }
0xb0: {  	v14 =	vand.u32 $0x7FFF, v14;
	vm9 =	veq.s32 v3, v2;
	v3 =	vshra.s32 v15, $0xF;
	v18 =	vld [tilespmem:s28+$0x8460]  }
0xb1: {  	v15 =	vand.u32 $0x7FFF, v15;
	[tilespmem:v4+s17+$0x0] =	vst.idx.add.s32.msk vm0, v1;
	vm10 =	veq.s32 v3, v2  }
0xb2: {  	[tilespmem:v5+s17+$0x0] =	vst.idx.add.s32.msk vm1, v1;
	v3 =	vshra.s32 v11, $0xF;
	v5 =	vand.u32 $0x7FFF, v11  }
0xb3: {  	[tilespmem:v6+s17+$0x0] =	vst.idx.add.s32.msk vm2, v1;
	vm2 =	veq.s32 v3, v2;
	v3 =	vshra.s32 v16, $0xF;
	v6 =	vand.u32 $0x7FFF, v16  }
0xb4: {  	[tilespmem:v7+s17+$0x0] =	vst.idx.add.s32.msk vm3, v1;
	vm3 =	veq.s32 v3, v2;
	v4 =	vshra.s32 v17, $0xF;
	v3 =	vand.u32 $0x7FFF, v17  }
0xb5: {  	[tilespmem:v8+s17+$0x0] =	vst.idx.add.s32.msk vm4, v1;
	vm0 =	veq.s32 v4, v2;
	v7 =	vshra.s32 v18, $0xF;
	v4 =	vand.u32 $0x7FFF, v18  }
0xb6: {  	[tilespmem:v9+s17+$0x0] =	vst.idx.add.s32.msk vm5, v1;
	vm1 =	veq.s32 v7, v2  }
0xb7: {  	[tilespmem:v10+s17+$0x0] =	vst.idx.add.s32.msk vm6, v1  }
0xb8: {  	[tilespmem:v12+s17+$0x0] =	vst.idx.add.s32.msk vm7, v1  }
.Ltmp2:
0xb9: {  	[tilespmem:v13+s17+$0x0] =	vst.idx.add.s32.msk vm8, v1;
	(pc) =	sbr.rel @p0 .LBB2_7-.Ltmp2, $4  }
0xba: {  	[tilespmem:v14+s17+$0x0] =	vst.idx.add.s32.msk vm9, v1  }
0xbb: {  	[tilespmem:v15+s17+$0x0] =	vst.idx.add.s32.msk vm10, v1  }
0xbc: {  	[tilespmem:v5+s17+$0x0] =	vst.idx.add.s32.msk vm2, v1  }
0xbd: {  	s25 =	sadd.s32 $0x800, s25;
	s26 =	sadd.s32 $0x8, s26;
	[tilespmem:v6+s17+$0x0] =	vst.idx.add.s32.msk vm3, v1  }
0xbe: {  	s23 =	sadd.s32 $0x1, s23  }
0xbf: {  	p0 =	sne.s32 s23, $0x7  }
.Ltmp3:
0xc0: {  	_ = 	snop;
	(pc) =	sbr.rel @p0 .LBB2_4-.Ltmp3, $3  }
0xc1: {  	_ =	sdelay $0x1  }
0xc2: {  	[tilespmem:v3+s17+$0x0] =	vst.idx.add.s32.msk vm0, v1  }
0xc3: {  	[tilespmem:v4+s17+$0x0] =	vst.idx.add.s32.msk vm1, v1  }
0xc4: {  	s21 =	sor.u32 s9, s22  }
0xc5: {  	s21 =	sshrl.u32 s21, $0x3  }
0xc6: {  	s30 =	simm.s32 $0x0;
	s21 =	sadd.s32 s1, s21  }
0xc7: {  	[tilespmem:s15], [sflag:$0x2] =	stream.linear.gather [hbm4b:s21+s30], $0x8000, $0x38;
	[tilespmem:$0x18100] =	vst v63  }
0xc8: {  	_ =	swait.ge [sflag:s16], $0x8000  }
0xc9: {  	s31 =	sand.u32 $0x7800, s30;
	s22 =	sand.u32 $0x380, s30;
	[sflag:s16] =	ssyncset.done $0x0  }
0xca: {  	s21 =	sor.u32 s22, s31;
	[sflag:s16] =	ssyncadd.s32 $0xFFFF8000  }
0xcb: {  	v3 =	vld [tilespmem:s21+$0x470]  }
0xcc: {  	v4 =	vld [tilespmem:s21+$0x0]  }
0xcd: {  	v5 =	vld [tilespmem:s21+$0x10]  }
0xce: {  	v6 =	vld [tilespmem:s21+$0x20]  }
0xcf: {  	v7 =	vld [tilespmem:s21+$0x30]  }
0xd0: {  	v8 =	vld [tilespmem:s21+$0x40];
	v9 =	vshra.s32 v3, $0xF  }
0xd1: {  	v10 =	vld [tilespmem:s21+$0x50];
	vm0 =	veq.s32 v9, v2  }
0xd2: {  	v58 =	vld [tilespmem:s21+$0x60];
	v3 =	vand.u32 $0x7FFF, v3  }
0xd3: {  	v11 =	vld [tilespmem:s21+$0x70]  }
0xd4: {  	v12 =	vld [tilespmem:s21+$0x400]  }
0xd5: {  	v14 =	vld [tilespmem:s21+$0x410];
	v13 =	vshra.s32 v4, $0xF;
	v59 =	vshra.s32 v5, $0xF  }
0xd6: {  	v15 =	vld [tilespmem:s21+$0x420];
	v4 =	vand.u32 $0x7FFF, v4;
	v60 =	vshra.s32 v6, $0xF;
	vm1 =	veq.s32 v13, v2  }
0xd7: {  	vm2 =	veq.s32 v59, v2;
	[tilespmem:v3+s17+$0x0] =	vst.idx.add.s32.msk vm0, v1;
	v3 =	vand.u32 $0x7FFF, v5;
	v5 =	vshra.s32 v7, $0xF  }
0xd8: {  	v61 =	vld [tilespmem:s21+$0x430];
	vm0 =	veq.s32 v60, v2;
	vm3 =	veq.s32 v5, v2;
	v5 =	vshra.s32 v8, $0xF  }
0xd9: {  	v16 =	vld [tilespmem:s21+$0x440];
	v6 =	vand.u32 $0x7FFF, v6;
	vm4 =	veq.s32 v5, v2;
	v5 =	vshra.s32 v10, $0xF  }
0xda: {  	v17 =	vld [tilespmem:s21+$0x450];
	v7 =	vand.u32 $0x7FFF, v7;
	vm5 =	veq.s32 v5, v2;
	v5 =	vshra.s32 v58, $0xF  }
0xdb: {  	v18 =	vld [tilespmem:s21+$0x460];
	vm6 =	veq.s32 v5, v2;
	v5 =	vshra.s32 v11, $0xF  }
0xdc: {  	[tilespmem:v4+s17+$0x0] =	vst.idx.add.s32.msk vm1, v1;
	v8 =	vand.u32 $0x7FFF, v8;
	vm1 =	veq.s32 v5, v2;
	v5 =	vshra.s32 v12, $0xF  }
0xdd: {  	v4 =	vand.u32 $0x7FFF, v58;
	[tilespmem:v3+s17+$0x0] =	vst.idx.add.s32.msk vm2, v1;
	vm2 =	veq.s32 v5, v2;
	v5 =	vshra.s32 v14, $0xF  }
0xde: {  	[tilespmem:v6+s17+$0x0] =	vst.idx.add.s32.msk vm0, v1;
	v6 =	vand.u32 $0x7FFF, v12;
	vm0 =	veq.s32 v5, v2  }
0xdf: {  	[tilespmem:v7+s17+$0x0] =	vst.idx.add.s32.msk vm3, v1;
	v7 =	vand.u32 $0x7FFF, v14  }
0xe0: {  	v3 =	vand.u32 $0x7FFF, v11;
	v5 =	vshra.s32 v15, $0xF  }
0xe1: {  	v10 =	vand.u32 $0x7FFF, v10;
	vm3 =	veq.s32 v5, v2;
	v5 =	vshra.s32 v61, $0xF;
	[tilespmem:v8+s17+$0x0] =	vst.idx.add.s32.msk vm4, v1  }
0xe2: {  	v62 =	vand.u32 $0x7FFF, v15;
	vm14 =	veq.s32 v5, v2;
	v5 =	vshra.s32 v16, $0xF;
	[tilespmem:v4+s17+$0x0] =	vst.idx.add.s32.msk vm6, v1  }
0xe3: {  	v63 =	vand.u32 $0x7FFF, v61;
	vm15 =	veq.s32 v5, v2;
	v4 =	vshra.s32 v17, $0xF;
	[tilespmem:v6+s17+$0x0] =	vst.idx.add.s32.msk vm2, v1  }
0xe4: {  	v5 =	vand.u32 $0x7FFF, v16;
	v6 =	vshra.s32 v18, $0xF;
	[tilespmem:v7+s17+$0x0] =	vst.idx.add.s32.msk vm0, v1;
	vm0 =	veq.s32 v4, v2  }
0xe5: {  	[tilespmem:v3+s17+$0x0] =	vst.idx.add.s32.msk vm1, v1;
	v3 =	vand.u32 $0x7FFF, v17;
	vm1 =	veq.s32 v6, v2  }
0xe6: {  	[tilespmem:v10+s17+$0x0] =	vst.idx.add.s32.msk vm5, v1;
	v4 =	vand.u32 $0x7FFF, v18  }
0xe7: {  	[tilespmem:v62+s17+$0x0] =	vst.idx.add.s32.msk vm3, v1  }
0xe8: {  	[tilespmem:v63+s17+$0x0] =	vst.idx.add.s32.msk vm14, v1  }
0xe9: {  	s23 =	simm.s32 $0x8;
	s22 =	simm.s32 $0x800;
	s21 =	simm.s32 $0x0;
	[tilespmem:v5+s17+$0x0] =	vst.idx.add.s32.msk vm15, v1  }
.LBB2_10:
0xea: {  	s24 =	sand.u32 $0x7800, s22;
	s25 =	sand.u32 $0x380, s23;
	s21 =	sadd.s32 $0x10, s21;
	[tilespmem:v3+s17+$0x0] =	vst.idx.add.s32.msk vm0, v1  }
0xeb: {  	s24 =	sor.u32 s25, s24;
	p0 =	slt.u32 s21, $0x7F0;
	[tilespmem:v4+s17+$0x0] =	vst.idx.add.s32.msk vm1, v1  }
0xec: {  	v3 =	vld [tilespmem:s24+$0x470]  }
0xed: {  	v4 =	vld [tilespmem:s24+$0x0]  }
0xee: {  	v5 =	vld [tilespmem:s24+$0x10]  }
0xef: {  	v6 =	vld [tilespmem:s24+$0x20]  }
0xf0: {  	v7 =	vld [tilespmem:s24+$0x30]  }
0xf1: {  	v8 =	vld [tilespmem:s24+$0x40];
	v9 =	vshra.s32 v3, $0xF  }
0xf2: {  	v10 =	vshra.s32 v4, $0xF;
	v4 =	vand.u32 $0x7FFF, v4;
	v11 =	vld [tilespmem:s24+$0x50];
	vm6 =	veq.s32 v9, v2  }
0xf3: {  	v3 =	vand.u32 $0x7FFF, v3;
	vm0 =	veq.s32 v10, v2;
	v9 =	vshra.s32 v5, $0xF;
	v10 =	vld [tilespmem:s24+$0x60]  }
0xf4: {  	v5 =	vand.u32 $0x7FFF, v5;
	vm1 =	veq.s32 v9, v2;
	v9 =	vshra.s32 v6, $0xF;
	v12 =	vld [tilespmem:s24+$0x70]  }
0xf5: {  	v6 =	vand.u32 $0x7FFF, v6;
	vm2 =	veq.s32 v9, v2;
	v9 =	vshra.s32 v7, $0xF;
	v13 =	vld [tilespmem:s24+$0x400]  }
0xf6: {  	v7 =	vand.u32 $0x7FFF, v7;
	vm3 =	veq.s32 v9, v2;
	v9 =	vshra.s32 v8, $0xF;
	v14 =	vld [tilespmem:s24+$0x410]  }
0xf7: {  	v8 =	vand.u32 $0x7FFF, v8;
	vm4 =	veq.s32 v9, v2;
	v9 =	vshra.s32 v11, $0xF;
	v15 =	vld [tilespmem:s24+$0x420]  }
0xf8: {  	vm5 =	veq.s32 v9, v2;
	v9 =	vand.u32 $0x7FFF, v11;
	v11 =	vshra.s32 v10, $0xF;
	[tilespmem:v3+s17+$0x0] =	vst.idx.add.s32.msk vm6, v1  }
0xf9: {  	v10 =	vand.u32 $0x7FFF, v10;
	vm6 =	veq.s32 v11, v2;
	v3 =	vshra.s32 v12, $0xF;
	v11 =	vld [tilespmem:s24+$0x430]  }
0xfa: {  	v12 =	vand.u32 $0x7FFF, v12;
	vm7 =	veq.s32 v3, v2;
	v3 =	vshra.s32 v13, $0xF;
	v16 =	vld [tilespmem:s24+$0x440]  }
0xfb: {  	v13 =	vand.u32 $0x7FFF, v13;
	vm8 =	veq.s32 v3, v2;
	v3 =	vshra.s32 v14, $0xF;
	v17 =	vld [tilespmem:s24+$0x450]  }
0xfc: {  	v14 =	vand.u32 $0x7FFF, v14;
	vm9 =	veq.s32 v3, v2;
	v3 =	vshra.s32 v15, $0xF;
	v18 =	vld [tilespmem:s24+$0x460]  }
0xfd: {  	v15 =	vand.u32 $0x7FFF, v15;
	[tilespmem:v4+s17+$0x0] =	vst.idx.add.s32.msk vm0, v1;
	vm10 =	veq.s32 v3, v2  }
0xfe: {  	[tilespmem:v5+s17+$0x0] =	vst.idx.add.s32.msk vm1, v1;
	v3 =	vshra.s32 v11, $0xF;
	v5 =	vand.u32 $0x7FFF, v11  }
0xff: {  	[tilespmem:v6+s17+$0x0] =	vst.idx.add.s32.msk vm2, v1;
	vm2 =	veq.s32 v3, v2;
	v3 =	vshra.s32 v16, $0xF;
	v6 =	vand.u32 $0x7FFF, v16  }
0x100: {  	[tilespmem:v7+s17+$0x0] =	vst.idx.add.s32.msk vm3, v1;
	vm3 =	veq.s32 v3, v2;
	v4 =	vshra.s32 v17, $0xF;
	v3 =	vand.u32 $0x7FFF, v17  }
0x101: {  	[tilespmem:v8+s17+$0x0] =	vst.idx.add.s32.msk vm4, v1;
	vm0 =	veq.s32 v4, v2;
	v7 =	vshra.s32 v18, $0xF;
	v4 =	vand.u32 $0x7FFF, v18  }
0x102: {  	[tilespmem:v9+s17+$0x0] =	vst.idx.add.s32.msk vm5, v1;
	vm1 =	veq.s32 v7, v2  }
0x103: {  	[tilespmem:v10+s17+$0x0] =	vst.idx.add.s32.msk vm6, v1  }
0x104: {  	[tilespmem:v12+s17+$0x0] =	vst.idx.add.s32.msk vm7, v1  }
.Ltmp4:
0x105: {  	[tilespmem:v13+s17+$0x0] =	vst.idx.add.s32.msk vm8, v1;
	(pc) =	sbr.rel @p0 .LBB2_10-.Ltmp4, $4  }
0x106: {  	[tilespmem:v14+s17+$0x0] =	vst.idx.add.s32.msk vm9, v1  }
0x107: {  	[tilespmem:v15+s17+$0x0] =	vst.idx.add.s32.msk vm10, v1  }
0x108: {  	[tilespmem:v5+s17+$0x0] =	vst.idx.add.s32.msk vm2, v1  }
0x109: {  	s22 =	sadd.s32 $0x800, s22;
	s23 =	sadd.s32 $0x8, s23;
	[tilespmem:v6+s17+$0x0] =	vst.idx.add.s32.msk vm3, v1  }
0x10a: {  	_ =	sdelay $0x4  }
0x10b: {  	[tilespmem:v3+s17+$0x0] =	vst.idx.add.s32.msk vm0, v1  }
0x10c: {  	[tilespmem:v4+s17+$0x0] =	vst.idx.add.s32.msk vm1, v1  }
0x10d: {  	s21 =	simm.s32 $0x0;
	_ =	swait.ge [sflag:s18], $0x8000  }
0x10e: {  	s22 =	sand.u32 $0x7800, s21;
	s21 =	sand.u32 $0x380, s21;
	[sflag:s18] =	ssyncset.done $0x0  }
0x10f: {  	s21 =	sor.u32 s21, s22;
	[sflag:s18] =	ssyncadd.s32 $0xFFFF8000  }
0x110: {  	v3 =	vld [tilespmem:s21+$0x8470]  }
0x111: {  	v4 =	vld [tilespmem:s21+$0x8000]  }
0x112: {  	v5 =	vld [tilespmem:s21+$0x8010]  }
0x113: {  	v6 =	vld [tilespmem:s21+$0x8020]  }
0x114: {  	v7 =	vld [tilespmem:s21+$0x8030]  }
0x115: {  	v8 =	vld [tilespmem:s21+$0x8040];
	v9 =	vshra.s32 v3, $0xF  }
0x116: {  	v10 =	vld [tilespmem:s21+$0x8050];
	vm0 =	veq.s32 v9, v2  }
0x117: {  	v58 =	vld [tilespmem:s21+$0x8060];
	v3 =	vand.u32 $0x7FFF, v3  }
0x118: {  	v11 =	vld [tilespmem:s21+$0x8070]  }
0x119: {  	v12 =	vld [tilespmem:s21+$0x8400]  }
0x11a: {  	v14 =	vld [tilespmem:s21+$0x8410];
	v13 =	vshra.s32 v4, $0xF;
	v59 =	vshra.s32 v5, $0xF  }
0x11b: {  	v15 =	vld [tilespmem:s21+$0x8420];
	v4 =	vand.u32 $0x7FFF, v4;
	v60 =	vshra.s32 v6, $0xF;
	vm1 =	veq.s32 v13, v2  }
0x11c: {  	vm2 =	veq.s32 v59, v2;
	[tilespmem:v3+s17+$0x0] =	vst.idx.add.s32.msk vm0, v1;
	v3 =	vand.u32 $0x7FFF, v5;
	v5 =	vshra.s32 v7, $0xF  }
0x11d: {  	v61 =	vld [tilespmem:s21+$0x8430];
	vm0 =	veq.s32 v60, v2;
	vm3 =	veq.s32 v5, v2;
	v5 =	vshra.s32 v8, $0xF  }
0x11e: {  	v16 =	vld [tilespmem:s21+$0x8440];
	v6 =	vand.u32 $0x7FFF, v6;
	vm4 =	veq.s32 v5, v2;
	v5 =	vshra.s32 v10, $0xF  }
0x11f: {  	v17 =	vld [tilespmem:s21+$0x8450];
	v7 =	vand.u32 $0x7FFF, v7;
	vm5 =	veq.s32 v5, v2;
	v5 =	vshra.s32 v58, $0xF  }
0x120: {  	v18 =	vld [tilespmem:s21+$0x8460];
	vm6 =	veq.s32 v5, v2;
	v5 =	vshra.s32 v11, $0xF  }
0x121: {  	[tilespmem:v4+s17+$0x0] =	vst.idx.add.s32.msk vm1, v1;
	v8 =	vand.u32 $0x7FFF, v8;
	vm1 =	veq.s32 v5, v2;
	v5 =	vshra.s32 v12, $0xF  }
0x122: {  	v4 =	vand.u32 $0x7FFF, v58;
	[tilespmem:v3+s17+$0x0] =	vst.idx.add.s32.msk vm2, v1;
	vm2 =	veq.s32 v5, v2;
	v5 =	vshra.s32 v14, $0xF  }
0x123: {  	[tilespmem:v6+s17+$0x0] =	vst.idx.add.s32.msk vm0, v1;
	v6 =	vand.u32 $0x7FFF, v12;
	vm0 =	veq.s32 v5, v2  }
0x124: {  	[tilespmem:v7+s17+$0x0] =	vst.idx.add.s32.msk vm3, v1;
	v7 =	vand.u32 $0x7FFF, v14  }
0x125: {  	v3 =	vand.u32 $0x7FFF, v11;
	v5 =	vshra.s32 v15, $0xF  }
0x126: {  	v10 =	vand.u32 $0x7FFF, v10;
	vm3 =	veq.s32 v5, v2;
	v5 =	vshra.s32 v61, $0xF;
	[tilespmem:v8+s17+$0x0] =	vst.idx.add.s32.msk vm4, v1  }
0x127: {  	v62 =	vand.u32 $0x7FFF, v15;
	vm14 =	veq.s32 v5, v2;
	v5 =	vshra.s32 v16, $0xF;
	[tilespmem:v4+s17+$0x0] =	vst.idx.add.s32.msk vm6, v1  }
0x128: {  	v63 =	vand.u32 $0x7FFF, v61;
	vm15 =	veq.s32 v5, v2;
	v4 =	vshra.s32 v17, $0xF;
	[tilespmem:v6+s17+$0x0] =	vst.idx.add.s32.msk vm2, v1  }
0x129: {  	v5 =	vand.u32 $0x7FFF, v16;
	v6 =	vshra.s32 v18, $0xF;
	[tilespmem:v7+s17+$0x0] =	vst.idx.add.s32.msk vm0, v1;
	vm0 =	veq.s32 v4, v2  }
0x12a: {  	[tilespmem:v3+s17+$0x0] =	vst.idx.add.s32.msk vm1, v1;
	v3 =	vand.u32 $0x7FFF, v17;
	vm1 =	veq.s32 v6, v2  }
0x12b: {  	[tilespmem:v10+s17+$0x0] =	vst.idx.add.s32.msk vm5, v1;
	v4 =	vand.u32 $0x7FFF, v18  }
0x12c: {  	[tilespmem:v62+s17+$0x0] =	vst.idx.add.s32.msk vm3, v1  }
0x12d: {  	[tilespmem:v63+s17+$0x0] =	vst.idx.add.s32.msk vm14, v1  }
0x12e: {  	s23 =	simm.s32 $0x8;
	s22 =	simm.s32 $0x800;
	s21 =	simm.s32 $0x0;
	[tilespmem:v5+s17+$0x0] =	vst.idx.add.s32.msk vm15, v1  }
.LBB2_12:
0x12f: {  	s24 =	sand.u32 $0x7800, s22;
	s25 =	sand.u32 $0x380, s23;
	s21 =	sadd.s32 $0x10, s21;
	[tilespmem:v3+s17+$0x0] =	vst.idx.add.s32.msk vm0, v1  }
0x130: {  	s24 =	sor.u32 s25, s24;
	p0 =	slt.u32 s21, $0x7F0;
	[tilespmem:v4+s17+$0x0] =	vst.idx.add.s32.msk vm1, v1  }
0x131: {  	v3 =	vld [tilespmem:s24+$0x8470]  }
0x132: {  	v4 =	vld [tilespmem:s24+$0x8000]  }
0x133: {  	v5 =	vld [tilespmem:s24+$0x8010]  }
0x134: {  	v6 =	vld [tilespmem:s24+$0x8020]  }
0x135: {  	v7 =	vld [tilespmem:s24+$0x8030]  }
0x136: {  	v8 =	vld [tilespmem:s24+$0x8040];
	v9 =	vshra.s32 v3, $0xF  }
0x137: {  	v10 =	vshra.s32 v4, $0xF;
	v4 =	vand.u32 $0x7FFF, v4;
	v11 =	vld [tilespmem:s24+$0x8050];
	vm6 =	veq.s32 v9, v2  }
0x138: {  	v3 =	vand.u32 $0x7FFF, v3;
	vm0 =	veq.s32 v10, v2;
	v9 =	vshra.s32 v5, $0xF;
	v10 =	vld [tilespmem:s24+$0x8060]  }
0x139: {  	v5 =	vand.u32 $0x7FFF, v5;
	vm1 =	veq.s32 v9, v2;
	v9 =	vshra.s32 v6, $0xF;
	v12 =	vld [tilespmem:s24+$0x8070]  }
0x13a: {  	v6 =	vand.u32 $0x7FFF, v6;
	vm2 =	veq.s32 v9, v2;
	v9 =	vshra.s32 v7, $0xF;
	v13 =	vld [tilespmem:s24+$0x8400]  }
0x13b: {  	v7 =	vand.u32 $0x7FFF, v7;
	vm3 =	veq.s32 v9, v2;
	v9 =	vshra.s32 v8, $0xF;
	v14 =	vld [tilespmem:s24+$0x8410]  }
0x13c: {  	v8 =	vand.u32 $0x7FFF, v8;
	vm4 =	veq.s32 v9, v2;
	v9 =	vshra.s32 v11, $0xF;
	v15 =	vld [tilespmem:s24+$0x8420]  }
0x13d: {  	vm5 =	veq.s32 v9, v2;
	v9 =	vand.u32 $0x7FFF, v11;
	v11 =	vshra.s32 v10, $0xF;
	[tilespmem:v3+s17+$0x0] =	vst.idx.add.s32.msk vm6, v1  }
0x13e: {  	v10 =	vand.u32 $0x7FFF, v10;
	vm6 =	veq.s32 v11, v2;
	v3 =	vshra.s32 v12, $0xF;
	v11 =	vld [tilespmem:s24+$0x8430]  }
0x13f: {  	v12 =	vand.u32 $0x7FFF, v12;
	vm7 =	veq.s32 v3, v2;
	v3 =	vshra.s32 v13, $0xF;
	v16 =	vld [tilespmem:s24+$0x8440]  }
0x140: {  	v13 =	vand.u32 $0x7FFF, v13;
	vm8 =	veq.s32 v3, v2;
	v3 =	vshra.s32 v14, $0xF;
	v17 =	vld [tilespmem:s24+$0x8450]  }
0x141: {  	v14 =	vand.u32 $0x7FFF, v14;
	vm9 =	veq.s32 v3, v2;
	v3 =	vshra.s32 v15, $0xF;
	v18 =	vld [tilespmem:s24+$0x8460]  }
0x142: {  	v15 =	vand.u32 $0x7FFF, v15;
	[tilespmem:v4+s17+$0x0] =	vst.idx.add.s32.msk vm0, v1;
	vm10 =	veq.s32 v3, v2  }
0x143: {  	[tilespmem:v5+s17+$0x0] =	vst.idx.add.s32.msk vm1, v1;
	v3 =	vshra.s32 v11, $0xF;
	v5 =	vand.u32 $0x7FFF, v11  }
0x144: {  	[tilespmem:v6+s17+$0x0] =	vst.idx.add.s32.msk vm2, v1;
	vm2 =	veq.s32 v3, v2;
	v3 =	vshra.s32 v16, $0xF;
	v6 =	vand.u32 $0x7FFF, v16  }
0x145: {  	[tilespmem:v7+s17+$0x0] =	vst.idx.add.s32.msk vm3, v1;
	vm3 =	veq.s32 v3, v2;
	v4 =	vshra.s32 v17, $0xF;
	v3 =	vand.u32 $0x7FFF, v17  }
0x146: {  	[tilespmem:v8+s17+$0x0] =	vst.idx.add.s32.msk vm4, v1;
	vm0 =	veq.s32 v4, v2;
	v7 =	vshra.s32 v18, $0xF;
	v4 =	vand.u32 $0x7FFF, v18  }
0x147: {  	[tilespmem:v9+s17+$0x0] =	vst.idx.add.s32.msk vm5, v1;
	vm1 =	veq.s32 v7, v2  }
0x148: {  	[tilespmem:v10+s17+$0x0] =	vst.idx.add.s32.msk vm6, v1  }
0x149: {  	[tilespmem:v12+s17+$0x0] =	vst.idx.add.s32.msk vm7, v1  }
.Ltmp5:
0x14a: {  	[tilespmem:v13+s17+$0x0] =	vst.idx.add.s32.msk vm8, v1;
	(pc) =	sbr.rel @p0 .LBB2_12-.Ltmp5, $4  }
0x14b: {  	[tilespmem:v14+s17+$0x0] =	vst.idx.add.s32.msk vm9, v1  }
0x14c: {  	[tilespmem:v15+s17+$0x0] =	vst.idx.add.s32.msk vm10, v1  }
0x14d: {  	[tilespmem:v5+s17+$0x0] =	vst.idx.add.s32.msk vm2, v1  }
0x14e: {  	s22 =	sadd.s32 $0x800, s22;
	s23 =	sadd.s32 $0x8, s23;
	[tilespmem:v6+s17+$0x0] =	vst.idx.add.s32.msk vm3, v1  }
0x14f: {  	_ =	sdelay $0x3  }
0x150: {  	s3 =	sadd.s32 $0x1, s3  }
0x151: {  	[tilespmem:v3+s17+$0x0] =	vst.idx.add.s32.msk vm0, v1;
	p0 =	sne.s32 s3, s11  }
.Ltmp6:
0x152: {  	[tilespmem:v4+s17+$0x0] =	vst.idx.add.s32.msk vm1, v1;
	(pc) =	sbr.rel @p0 .LBB2_1-.Ltmp6, $4  }
0x153: {  	[hbm4b:s10+s19] =	stream.strided.scatter [tilespmem:s17], [sflag:$0x3], $0x8000, s20, s19, $0x38;
	[tilespmem:$0x18100] =	vst v63  }
0x154: {  	_ =	swait.ge [sflag:s13], $0x8000  }
0x155: {  	[sflag:s13] =	ssyncset.done $0x0  }
0x156: {  	[sflag:s13] =	ssyncadd.s32 $0xFFFF8000  }
0x157: {  	_ =	sfence.sel $0x180000  }
0x158: {  	[bflag:$0x0] =	sbarrier.arrive $0xFFFF  }
0x159: {  	p0 =	sne.s32 s2, $0x0;
	_ =	strace $0x9000004A  }
0x15a: {  	s0 =	sadd.s32 @!p0 $0x100000, s0;
	[bflag:$0x2] =	sbarrier.arrive $0xFFFF  }
0x15b: {  	[sflag:s0] =	ssyncadd.tile.s32 @!p0 $0x1;
	_ =	shalt  }
.Lfunc_end2:
_tile_overlayer_lowered:
.L_overlay_start_2:
0x15c: {  	(tag) =	ssettag $0x2  }
0x15d: {  	s0 =	rddreg [dreg:$0x0];
	s2 =	stileid.u32  }
0x15e: {  	s1 =	rddreg [dreg:$0x1];
	p0 =	sne.s32 s2, $0x0  }
0x15f: {  	s3 =	rddreg [dreg:$0x2];
	[bflag:$0x3] =	sbarrier.arrive $0xFFFF;
	s2 =	simm.s32 @!p0 $0x1C03  }
0x160: {  	[timem:s3], [sflag:s2] =	dma.local @!p0 [hbm:s0], s1  }
0x161: {  	s0 =	simm.s32 @!p0 $0x3  }
0x162: {  	_ =	swait.ge @!p0 [sflag:s0], s1  }
0x163: {  	s1 =	ssub.s32 @!p0 $0x0, s1;
	[sflag:s0] =	ssyncset.done @!p0 $0x0  }
0x164: {  	[sflag:s0] =	ssyncadd.s32 @!p0 s1  }
0x165: {  	[bflag:$0x3] =	sbarrier.arrive $0xFFFF  }
0x166: {  	_ =	shalt  }

</sc_bundles>
